<compile_context>
chip_gen: v7x
topology: tpu7x:2x2x1
jax: 0.10.2.dev20260603
libtpu: 0.0.44.dev20260713+nightly
codegen_flags: <defaults>
</compile_context>

<pallas_src>
import functools

import jax
import jax.numpy as jnp
from jax import lax
from jax.experimental import pallas as pl
from jax.experimental.pallas import tpu as pltpu
from jax.experimental.pallas import tpu_sc as plsc

NC = 2
NS = 16
NW = NC * NS
L = 16

BETA = 0.1
NBINS = 256
CHUNK = 8192

SIZES = (16 * 768 * 24 * 24, 16 * 384 * 48 * 48, 16 * 192 * 96 * 96)

_mesh = plsc.VectorSubcoreMesh(
    core_axis_name="c", subcore_axis_name="s", num_cores=NC, num_subcores=NS
)


def _wid():
    return lax.axis_index("s") * NC + lax.axis_index("c")


def _pass1_body(fa, fb, fc, out, buf, stage):
    wid = _wid()
    feats = (fa, fb, fc)
    for t in range(3):
        n_per = SIZES[t] // NW
        nchunks = n_per // CHUNK
        base = wid * n_per

        def chunk_step(ci, carry, f=feats[t], base=base):
            mn, mx, sa = carry
            pltpu.sync_copy(f.at[pl.ds(base + ci * CHUNK, CHUNK)], buf)

            def vec_step(i, c):
                m0, m1, s0 = c
                v = buf[pl.ds(i * L, L)]
                return (jnp.minimum(m0, v), jnp.maximum(m1, v),
                        s0 + jnp.abs(v))

            return lax.fori_loop(0, CHUNK // L, vec_step, (mn, mx, sa))

        init = (
            jnp.full((L,), jnp.inf, jnp.float32),
            jnp.full((L,), -jnp.inf, jnp.float32),
            jnp.zeros((L,), jnp.float32),
        )
        mn, mx, sa = lax.fori_loop(0, nchunks, chunk_step, init)
        stage[pl.ds(0, L)] = mn
        stage[pl.ds(L, L)] = mx
        stage[pl.ds(2 * L, L)] = sa
        pltpu.sync_copy(stage, out.at[t, wid])


def _pass2_body(fa, fb, fc, parts, out, buf, hist, pv, hstage):
    wid = _wid()
    pltpu.sync_copy(parts, pv)
    lane_addr = lax.iota(jnp.int32, L) * NBINS
    ones = jnp.ones((L,), jnp.float32)
    zeros = jnp.zeros((L,), jnp.float32)
    feats = (fa, fb, fc)

    for t in range(3):
        n_per = SIZES[t] // NW
        nchunks = n_per // CHUNK
        base = wid * n_per

        def red_step(w, c, t=t):
            m0, m1 = c
            off = (t * NW + w) * 3 * L
            return (jnp.minimum(m0, pv[pl.ds(off, L)]),
                    jnp.maximum(m1, pv[pl.ds(off + L, L)]))

        mnv, mxv = lax.fori_loop(
            0, NW, red_step,
            (jnp.full((L,), jnp.inf, jnp.float32),
             jnp.full((L,), -jnp.inf, jnp.float32)))
        gmin, gmax = mnv[0], mxv[0]
        for j in range(1, L):
            gmin = jnp.minimum(gmin, mnv[j])
            gmax = jnp.maximum(gmax, mxv[j])
        gmin_v = jnp.full((L,), gmin, jnp.float32)
        denom_v = jnp.full((L,), gmax - gmin + 1e-08, jnp.float32)
        scale_v = 256.0 / denom_v

        def zero_step(j, _):
            hist[pl.ds(j * L, L)] = zeros
            return 0

        lax.fori_loop(0, (NS * NBINS) // L, zero_step, 0)

        def chunk_step(ci, _, f=feats[t], base=base, scale=scale_v,
                       gmin=gmin_v):
            pltpu.sync_copy(f.at[pl.ds(base + ci * CHUNK, CHUNK)], buf)

            def vec_step(i, __):
                v = buf[pl.ds(i * L, L)]
                y = (v - gmin) * scale
                yi = jnp.clip(y.astype(jnp.int32), 0, NBINS - 1)
                plsc.addupdate_scatter(hist, [lane_addr + yi], ones)
                return 0

            return lax.fori_loop(0, CHUNK // L, vec_step, 0)

        lax.fori_loop(0, nchunks, chunk_step, 0)

        def fold_step(j, _):
            def lane_step(l, acc):
                return acc + hist[pl.ds(l * NBINS + j * L, L)]

            hstage[pl.ds(j * L, L)] = lax.fori_loop(0, NS, lane_step, zeros)
            return 0

        lax.fori_loop(0, NBINS // L, fold_step, 0)
        pltpu.sync_copy(hstage, out.at[t, wid])


_pass1 = functools.partial(
    pl.kernel,
    out_type=jax.ShapeDtypeStruct((3, NW, 3 * L), jnp.float32),
    mesh=_mesh,
    compiler_params=pltpu.CompilerParams(needs_layout_passes=False),
    scratch_types=[
        pltpu.VMEM((CHUNK,), jnp.float32),
        pltpu.VMEM((3 * L,), jnp.float32),
    ],
)(_pass1_body)

_pass2 = functools.partial(
    pl.kernel,
    out_type=jax.ShapeDtypeStruct((3, NW, NBINS), jnp.float32),
    mesh=_mesh,
    compiler_params=pltpu.CompilerParams(needs_layout_passes=False),
    scratch_types=[
        pltpu.VMEM((CHUNK,), jnp.float32),
        pltpu.VMEM((NS * NBINS,), jnp.float32),
        pltpu.VMEM((3 * NW * 3 * L,), jnp.float32),
        pltpu.VMEM((NBINS,), jnp.float32),
    ],
)(_pass2_body)


def _finalize_body(parts_ref, hist_ref, out_ref):
    parts = parts_ref[...]
    hists = hist_ref[...]
    h = jnp.sum(hists, axis=1)
    total = jnp.sum(h, axis=1, keepdims=True)
    p = h / total
    ent = -jnp.sum(p * jnp.log2(p + 1e-08), axis=1)
    sumabs = jnp.sum(parts[:, :, 2 * L:3 * L], axis=(1, 2))
    sparsity = (sumabs[0] / SIZES[0] + sumabs[1] / SIZES[1]
                + sumabs[2] / SIZES[2]) / 3.0
    loss = sparsity + BETA * jnp.mean(ent)
    out_ref[...] = jnp.reshape(loss, (1, 1))


def kernel(feat_a, feat_b, feat_c):
    flats = [f.reshape(-1) for f in (feat_a, feat_b, feat_c)]
    parts = _pass1(*flats)
    hists = _pass2(*flats, parts.reshape(-1))
    loss = pl.pallas_call(
        _finalize_body,
        out_shape=jax.ShapeDtypeStruct((1, 1), jnp.float32),
    )(parts, hists)
    return loss[0, 0]

# --- scband reference (transcript-rebuilt; emitter-appended) ---
"""Pipeline reference for scband-compressed-feature-loss-32212254720562 (READ-ONLY COPY).

The authoritative reference and input builder live on the scoring server;
editing this copy changes nothing except your own understanding.
"""

import jax, jax.numpy as jnp
import numpy as np

BETA = 0.1


def _entropy(x):
    # torch: x = (x - x.min()) / (x.max() - x.min() + 1e-8)
    x = (x - x.min()) / (x.max() - x.min() + 1e-08)
    # torch.histc(x, bins=256, min=0, max=1): bin = floor(x*256), top edge inclusive
    idx = jnp.clip((x * 256.0).astype(jnp.int32), 0, 255)
    hist = jnp.bincount(idx.reshape(-1), length=256).astype(jnp.float32)
    p = hist / hist.sum()
    return -jnp.sum(p * jnp.log2(p + 1e-08))


def setup_inputs(seed: int = 0) -> dict:
    key = jax.random.key(seed)
    k1, k2, k3 = jax.random.split(key, 3)
    return {
        "feat_a": jax.random.normal(k1, (16, 768, 24, 24), dtype=jnp.float32),
        "feat_b": jax.random.normal(k2, (16, 384, 48, 48), dtype=jnp.float32),
        "feat_c": jax.random.normal(k3, (16, 192, 96, 96), dtype=jnp.float32),
    }


def reference(feat_a, feat_b, feat_c):
    feats = [feat_a, feat_b, feat_c]
    total_sparsity = 0.0
    total_entropy = 0.0
    for f in feats:
        total_sparsity = total_sparsity + jnp.mean(jnp.abs(f))
        total_entropy = total_entropy + _entropy(f)
    n = float(len(feats))
    avg_sparsity = total_sparsity / n
    avg_entropy = total_entropy / n
    return avg_sparsity + BETA * avg_entropy

if __name__ == "__main__":
    import jax
    _d = setup_inputs()
    print(jax.jit(kernel)(*tuple(_d.values())))

</pallas_src>

<mosaic_0001>
#map = affine_map<(d0, d1) -> (0)>
#map1 = affine_map<(d0, d1) -> (0, 0, 0)>
module attributes {stable_mosaic.version = 14 : i64} {
  func.func @_pass1_body(%arg0: i32, %arg1: i32, %arg2: memref<7077888xf32, #tpu.memory_space<hbm>>, %arg3: memref<14155776xf32, #tpu.memory_space<hbm>>, %arg4: memref<28311552xf32, #tpu.memory_space<hbm>>, %arg5: memref<3x32x48xf32, #tpu.memory_space<hbm>>, %arg6: memref<8192xf32, #tpu.memory_space<vmem>>, %arg7: memref<48xf32, #tpu.memory_space<vmem>>) attributes {dimension_semantics = [#tpu.dimension_semantics<core_parallel>, #tpu.dimension_semantics<subcore_parallel>], iteration_bounds = array<i64: 2, 16>, scalar_prefetch = 0 : i64, scratch_operands = 2 : i64, tpu.core_type = #tpu.core_type<sc_vector_subcore>, window_params = [{transform_indices = #map}, {transform_indices = #map}, {transform_indices = #map}, {transform_indices = #map1}]} {
    %mul3A = arith.constant 2 : i32
    %mul3A_0 = arith.muli %arg1, %mul3A : i32
    %add3A = arith.addi %mul3A_0, %arg0 : i32
    %mul3A_1 = arith.constant 221184 : i32
    %mul3A_2 = arith.muli %add3A, %mul3A_1 : i32
    %broadcast_in_dim3A = arith.constant 0x7F800000 : f32
    %broadcast_in_dim3A_3 = vector.broadcast %broadcast_in_dim3A : f32 to vector<16xf32>
    %broadcast_in_dim3A_4 = arith.constant 0xFF800000 : f32
    %broadcast_in_dim3A_5 = vector.broadcast %broadcast_in_dim3A_4 : f32 to vector<16xf32>
    %broadcast_in_dim3A_6 = arith.constant 0.000000e+00 : f32
    %broadcast_in_dim3A_7 = vector.broadcast %broadcast_in_dim3A_6 : f32 to vector<16xf32>
    %scan3A = arith.constant 0 : i32
    %scan3A_8 = arith.constant 27 : i32
    %scan3A_9 = arith.addi %scan3A, %scan3A_8 : i32
    %scan3A_10 = arith.constant 1 : i32
    %scan3A_11:3 = scf.for %scan3A_60 = %scan3A to %scan3A_9 step %scan3A_10 iter_args(%scan3A_61 = %broadcast_in_dim3A_3, %scan3A_62 = %broadcast_in_dim3A_5, %scan3A_63 = %broadcast_in_dim3A_7) -> (vector<16xf32>, vector<16xf32>, vector<16xf32>)  : i32 {
      %mul3A_64 = arith.constant 8192 : i32
      %mul3A_65 = arith.muli %scan3A_60, %mul3A_64 : i32
      %add3A_66 = arith.addi %mul3A_2, %mul3A_65 : i32
      "tpu.region"() ({
        %run_scoped3A_73 = tpu.sem_alloc : memref<!tpu.dma_semaphore, #tpu.memory_space<semaphore_mem>>
        %dma_start3A = tpu.memref_slice %arg2[%add3A_66] : memref<7077888xf32, #tpu.memory_space<hbm>> -> memref<8192xf32, #tpu.memory_space<hbm>>
        %dma_start3A_74 = tpu.memref_slice %arg2[%add3A_66] : memref<7077888xf32, #tpu.memory_space<hbm>> -> memref<8192xf32, #tpu.memory_space<hbm>>
        tpu.enqueue_dma source(%dma_start3A_74 : memref<8192xf32, #tpu.memory_space<hbm>>) target(%arg6 : memref<8192xf32, #tpu.memory_space<vmem>>) target_semaphore(%run_scoped3A_73 : memref<!tpu.dma_semaphore, #tpu.memory_space<semaphore_mem>>)
        %dma_wait3A = tpu.memref_slice %arg2[%add3A_66] : memref<7077888xf32, #tpu.memory_space<hbm>> -> memref<8192xf32, #tpu.memory_space<hbm>>
        %dma_wait3A_75 = tpu.memref_slice %arg2[%add3A_66] : memref<7077888xf32, #tpu.memory_space<hbm>> -> memref<8192xf32, #tpu.memory_space<hbm>>
        tpu.wait_dma2 semaphore(%run_scoped3A_73 : memref<!tpu.dma_semaphore, #tpu.memory_space<semaphore_mem>>) src(%dma_wait3A_75 : memref<8192xf32, #tpu.memory_space<hbm>>) dst(%arg6 : memref<8192xf32, #tpu.memory_space<vmem>>)
        tpu.yield
      }) : () -> ()
      %scan3A_67 = arith.constant 0 : i32
      %scan3A_68 = arith.constant 512 : i32
      %scan3A_69 = arith.addi %scan3A_67, %scan3A_68 : i32
      %scan3A_70 = arith.constant 1 : i32
      %scan3A_71:3 = scf.for %scan3A_73 = %scan3A_67 to %scan3A_69 step %scan3A_70 iter_args(%scan3A_74 = %scan3A_61, %scan3A_75 = %scan3A_62, %scan3A_76 = %scan3A_63) -> (vector<16xf32>, vector<16xf32>, vector<16xf32>)  : i32 {
        %mul3A_77 = arith.constant 16 : i32
        %mul3A_78 = arith.muli %scan3A_73, %mul3A_77 : i32
        %get3A = arith.index_cast %mul3A_78 : i32 to index
        %get3A_79 = tpu.vector_load %arg6[%get3A] {strides = array<i32>} : memref<8192xf32, #tpu.memory_space<vmem>>, vector<16xf32>,
        %min3A = arith.minimumf %scan3A_74, %get3A_79 : vector<16xf32>
        %max3A = arith.maximumf %scan3A_75, %get3A_79 : vector<16xf32>
        %abs3A = math.absf %get3A_79 : vector<16xf32>
        %add3A_80 = arith.addf %scan3A_76, %abs3A : vector<16xf32>
        scf.yield %min3A, %max3A, %add3A_80 : vector<16xf32>, vector<16xf32>, vector<16xf32>
      }
      %scan3A_72 = arith.constant 512 : i32
      scf.yield %scan3A_71#0, %scan3A_71#1, %scan3A_71#2 : vector<16xf32>, vector<16xf32>, vector<16xf32>
    }
    %scan3A_12 = arith.constant 27 : i32
    %swap3A = arith.constant 0 : index
    %swap3A_13 = tpu.vector_load %arg7[%swap3A] {strides = array<i32>} : memref<48xf32, #tpu.memory_space<vmem>>, vector<16xf32>,
    tpu.vector_store %arg7[%swap3A], %scan3A_11#0 {strides = array<i32>} : memref<48xf32, #tpu.memory_space<vmem>>, vector<16xf32>,
    %swap3A_14 = arith.constant 16 : index
    %swap3A_15 = tpu.vector_load %arg7[%swap3A_14] {strides = array<i32>} : memref<48xf32, #tpu.memory_space<vmem>>, vector<16xf32>,
    tpu.vector_store %arg7[%swap3A_14], %scan3A_11#1 {strides = array<i32>} : memref<48xf32, #tpu.memory_space<vmem>>, vector<16xf32>,
    %swap3A_16 = arith.constant 32 : index
    %swap3A_17 = tpu.vector_load %arg7[%swap3A_16] {strides = array<i32>} : memref<48xf32, #tpu.memory_space<vmem>>, vector<16xf32>,
    tpu.vector_store %arg7[%swap3A_16], %scan3A_11#2 {strides = array<i32>} : memref<48xf32, #tpu.memory_space<vmem>>, vector<16xf32>,
    %run_scoped3A = arith.constant 0 : i32
    "tpu.region"() ({
      %run_scoped3A_60 = tpu.sem_alloc : memref<!tpu.dma_semaphore, #tpu.memory_space<semaphore_mem>>
      %dma_start3A = arith.constant 0 : i32
      %dma_start3A_61 = tpu.memref_slice %arg5[%run_scoped3A, %add3A, %dma_start3A] : memref<3x32x48xf32, #tpu.memory_space<hbm>> -> memref<1x1x48xf32, #tpu.memory_space<hbm>>
      %dma_start3A_62 = tpu.memref_squeeze %dma_start3A_61 : memref<1x1x48xf32, #tpu.memory_space<hbm>> -> memref<48xf32, #tpu.memory_space<hbm>>
      %dma_start3A_63 = arith.constant 0 : i32
      %dma_start3A_64 = tpu.memref_slice %arg5[%run_scoped3A, %add3A, %dma_start3A_63] : memref<3x32x48xf32, #tpu.memory_space<hbm>> -> memref<1x1x48xf32, #tpu.memory_space<hbm>>
      %dma_start3A_65 = tpu.memref_squeeze %dma_start3A_64 : memref<1x1x48xf32, #tpu.memory_space<hbm>> -> memref<48xf32, #tpu.memory_space<hbm>>
      tpu.enqueue_dma source(%arg7 : memref<48xf32, #tpu.memory_space<vmem>>) target(%dma_start3A_65 : memref<48xf32, #tpu.memory_space<hbm>>) target_semaphore(%run_scoped3A_60 : memref<!tpu.dma_semaphore, #tpu.memory_space<semaphore_mem>>)
      %dma_wait3A = arith.constant 0 : i32
      %dma_wait3A_66 = tpu.memref_slice %arg5[%run_scoped3A, %add3A, %dma_wait3A] : memref<3x32x48xf32, #tpu.memory_space<hbm>> -> memref<1x1x48xf32, #tpu.memory_space<hbm>>
      %dma_wait3A_67 = tpu.memref_squeeze %dma_wait3A_66 : memref<1x1x48xf32, #tpu.memory_space<hbm>> -> memref<48xf32, #tpu.memory_space<hbm>>
      %dma_wait3A_68 = arith.constant 0 : i32
      %dma_wait3A_69 = tpu.memref_slice %arg5[%run_scoped3A, %add3A, %dma_wait3A_68] : memref<3x32x48xf32, #tpu.memory_space<hbm>> -> memref<1x1x48xf32, #tpu.memory_space<hbm>>
      %dma_wait3A_70 = tpu.memref_squeeze %dma_wait3A_69 : memref<1x1x48xf32, #tpu.memory_space<hbm>> -> memref<48xf32, #tpu.memory_space<hbm>>
      tpu.wait_dma2 semaphore(%run_scoped3A_60 : memref<!tpu.dma_semaphore, #tpu.memory_space<semaphore_mem>>) src(%arg7 : memref<48xf32, #tpu.memory_space<vmem>>) dst(%dma_wait3A_70 : memref<48xf32, #tpu.memory_space<hbm>>)
      tpu.yield
    }) : () -> ()
    %mul3A_18 = arith.constant 442368 : i32
    %mul3A_19 = arith.muli %add3A, %mul3A_18 : i32
    %broadcast_in_dim3A_20 = arith.constant 0x7F800000 : f32
    %broadcast_in_dim3A_21 = vector.broadcast %broadcast_in_dim3A_20 : f32 to vector<16xf32>
    %broadcast_in_dim3A_22 = arith.constant 0xFF800000 : f32
    %broadcast_in_dim3A_23 = vector.broadcast %broadcast_in_dim3A_22 : f32 to vector<16xf32>
    %broadcast_in_dim3A_24 = arith.constant 0.000000e+00 : f32
    %broadcast_in_dim3A_25 = vector.broadcast %broadcast_in_dim3A_24 : f32 to vector<16xf32>
    %scan3A_26 = arith.constant 0 : i32
    %scan3A_27 = arith.constant 54 : i32
    %scan3A_28 = arith.addi %scan3A_26, %scan3A_27 : i32
    %scan3A_29 = arith.constant 1 : i32
    %scan3A_30:3 = scf.for %scan3A_60 = %scan3A_26 to %scan3A_28 step %scan3A_29 iter_args(%scan3A_61 = %broadcast_in_dim3A_21, %scan3A_62 = %broadcast_in_dim3A_23, %scan3A_63 = %broadcast_in_dim3A_25) -> (vector<16xf32>, vector<16xf32>, vector<16xf32>)  : i32 {
      %mul3A_64 = arith.constant 8192 : i32
      %mul3A_65 = arith.muli %scan3A_60, %mul3A_64 : i32
      %add3A_66 = arith.addi %mul3A_19, %mul3A_65 : i32
      "tpu.region"() ({
        %run_scoped3A_73 = tpu.sem_alloc : memref<!tpu.dma_semaphore, #tpu.memory_space<semaphore_mem>>
        %dma_start3A = tpu.memref_slice %arg3[%add3A_66] : memref<14155776xf32, #tpu.memory_space<hbm>> -> memref<8192xf32, #tpu.memory_space<hbm>>
        %dma_start3A_74 = tpu.memref_slice %arg3[%add3A_66] : memref<14155776xf32, #tpu.memory_space<hbm>> -> memref<8192xf32, #tpu.memory_space<hbm>>
        tpu.enqueue_dma source(%dma_start3A_74 : memref<8192xf32, #tpu.memory_space<hbm>>) target(%arg6 : memref<8192xf32, #tpu.memory_space<vmem>>) target_semaphore(%run_scoped3A_73 : memref<!tpu.dma_semaphore, #tpu.memory_space<semaphore_mem>>)
        %dma_wait3A = tpu.memref_slice %arg3[%add3A_66] : memref<14155776xf32, #tpu.memory_space<hbm>> -> memref<8192xf32, #tpu.memory_space<hbm>>
        %dma_wait3A_75 = tpu.memref_slice %arg3[%add3A_66] : memref<14155776xf32, #tpu.memory_space<hbm>> -> memref<8192xf32, #tpu.memory_space<hbm>>
        tpu.wait_dma2 semaphore(%run_scoped3A_73 : memref<!tpu.dma_semaphore, #tpu.memory_space<semaphore_mem>>) src(%dma_wait3A_75 : memref<8192xf32, #tpu.memory_space<hbm>>) dst(%arg6 : memref<8192xf32, #tpu.memory_space<vmem>>)
        tpu.yield
      }) : () -> ()
      %scan3A_67 = arith.constant 0 : i32
      %scan3A_68 = arith.constant 512 : i32
      %scan3A_69 = arith.addi %scan3A_67, %scan3A_68 : i32
      %scan3A_70 = arith.constant 1 : i32
      %scan3A_71:3 = scf.for %scan3A_73 = %scan3A_67 to %scan3A_69 step %scan3A_70 iter_args(%scan3A_74 = %scan3A_61, %scan3A_75 = %scan3A_62, %scan3A_76 = %scan3A_63) -> (vector<16xf32>, vector<16xf32>, vector<16xf32>)  : i32 {
        %mul3A_77 = arith.constant 16 : i32
        %mul3A_78 = arith.muli %scan3A_73, %mul3A_77 : i32
        %get3A = arith.index_cast %mul3A_78 : i32 to index
        %get3A_79 = tpu.vector_load %arg6[%get3A] {strides = array<i32>} : memref<8192xf32, #tpu.memory_space<vmem>>, vector<16xf32>,
        %min3A = arith.minimumf %scan3A_74, %get3A_79 : vector<16xf32>
        %max3A = arith.maximumf %scan3A_75, %get3A_79 : vector<16xf32>
        %abs3A = math.absf %get3A_79 : vector<16xf32>
        %add3A_80 = arith.addf %scan3A_76, %abs3A : vector<16xf32>
        scf.yield %min3A, %max3A, %add3A_80 : vector<16xf32>, vector<16xf32>, vector<16xf32>
      }
      %scan3A_72 = arith.constant 512 : i32
      scf.yield %scan3A_71#0, %scan3A_71#1, %scan3A_71#2 : vector<16xf32>, vector<16xf32>, vector<16xf32>
    }
    %scan3A_31 = arith.constant 54 : i32
    %swap3A_32 = arith.constant 0 : index
    %swap3A_33 = tpu.vector_load %arg7[%swap3A_32] {strides = array<i32>} : memref<48xf32, #tpu.memory_space<vmem>>, vector<16xf32>,
    tpu.vector_store %arg7[%swap3A_32], %scan3A_30#0 {strides = array<i32>} : memref<48xf32, #tpu.memory_space<vmem>>, vector<16xf32>,
    %swap3A_34 = arith.constant 16 : index
    %swap3A_35 = tpu.vector_load %arg7[%swap3A_34] {strides = array<i32>} : memref<48xf32, #tpu.memory_space<vmem>>, vector<16xf32>,
    tpu.vector_store %arg7[%swap3A_34], %scan3A_30#1 {strides = array<i32>} : memref<48xf32, #tpu.memory_space<vmem>>, vector<16xf32>,
    %swap3A_36 = arith.constant 32 : index
    %swap3A_37 = tpu.vector_load %arg7[%swap3A_36] {strides = array<i32>} : memref<48xf32, #tpu.memory_space<vmem>>, vector<16xf32>,
    tpu.vector_store %arg7[%swap3A_36], %scan3A_30#2 {strides = array<i32>} : memref<48xf32, #tpu.memory_space<vmem>>, vector<16xf32>,
    %run_scoped3A_38 = arith.constant 1 : i32
    "tpu.region"() ({
      %run_scoped3A_60 = tpu.sem_alloc : memref<!tpu.dma_semaphore, #tpu.memory_space<semaphore_mem>>
      %dma_start3A = arith.constant 0 : i32
      %dma_start3A_61 = tpu.memref_slice %arg5[%run_scoped3A_38, %add3A, %dma_start3A] : memref<3x32x48xf32, #tpu.memory_space<hbm>> -> memref<1x1x48xf32, #tpu.memory_space<hbm>>
      %dma_start3A_62 = tpu.memref_squeeze %dma_start3A_61 : memref<1x1x48xf32, #tpu.memory_space<hbm>> -> memref<48xf32, #tpu.memory_space<hbm>>
      %dma_start3A_63 = arith.constant 0 : i32
      %dma_start3A_64 = tpu.memref_slice %arg5[%run_scoped3A_38, %add3A, %dma_start3A_63] : memref<3x32x48xf32, #tpu.memory_space<hbm>> -> memref<1x1x48xf32, #tpu.memory_space<hbm>>
      %dma_start3A_65 = tpu.memref_squeeze %dma_start3A_64 : memref<1x1x48xf32, #tpu.memory_space<hbm>> -> memref<48xf32, #tpu.memory_space<hbm>>
      tpu.enqueue_dma source(%arg7 : memref<48xf32, #tpu.memory_space<vmem>>) target(%dma_start3A_65 : memref<48xf32, #tpu.memory_space<hbm>>) target_semaphore(%run_scoped3A_60 : memref<!tpu.dma_semaphore, #tpu.memory_space<semaphore_mem>>)
      %dma_wait3A = arith.constant 0 : i32
      %dma_wait3A_66 = tpu.memref_slice %arg5[%run_scoped3A_38, %add3A, %dma_wait3A] : memref<3x32x48xf32, #tpu.memory_space<hbm>> -> memref<1x1x48xf32, #tpu.memory_space<hbm>>
      %dma_wait3A_67 = tpu.memref_squeeze %dma_wait3A_66 : memref<1x1x48xf32, #tpu.memory_space<hbm>> -> memref<48xf32, #tpu.memory_space<hbm>>
      %dma_wait3A_68 = arith.constant 0 : i32
      %dma_wait3A_69 = tpu.memref_slice %arg5[%run_scoped3A_38, %add3A, %dma_wait3A_68] : memref<3x32x48xf32, #tpu.memory_space<hbm>> -> memref<1x1x48xf32, #tpu.memory_space<hbm>>
      %dma_wait3A_70 = tpu.memref_squeeze %dma_wait3A_69 : memref<1x1x48xf32, #tpu.memory_space<hbm>> -> memref<48xf32, #tpu.memory_space<hbm>>
      tpu.wait_dma2 semaphore(%run_scoped3A_60 : memref<!tpu.dma_semaphore, #tpu.memory_space<semaphore_mem>>) src(%arg7 : memref<48xf32, #tpu.memory_space<vmem>>) dst(%dma_wait3A_70 : memref<48xf32, #tpu.memory_space<hbm>>)
      tpu.yield
    }) : () -> ()
    %mul3A_39 = arith.constant 884736 : i32
    %mul3A_40 = arith.muli %add3A, %mul3A_39 : i32
    %broadcast_in_dim3A_41 = arith.constant 0x7F800000 : f32
    %broadcast_in_dim3A_42 = vector.broadcast %broadcast_in_dim3A_41 : f32 to vector<16xf32>
    %broadcast_in_dim3A_43 = arith.constant 0xFF800000 : f32
    %broadcast_in_dim3A_44 = vector.broadcast %broadcast_in_dim3A_43 : f32 to vector<16xf32>
    %broadcast_in_dim3A_45 = arith.constant 0.000000e+00 : f32
    %broadcast_in_dim3A_46 = vector.broadcast %broadcast_in_dim3A_45 : f32 to vector<16xf32>
    %scan3A_47 = arith.constant 0 : i32
    %scan3A_48 = arith.constant 108 : i32
    %scan3A_49 = arith.addi %scan3A_47, %scan3A_48 : i32
    %scan3A_50 = arith.constant 1 : i32
    %scan3A_51:3 = scf.for %scan3A_60 = %scan3A_47 to %scan3A_49 step %scan3A_50 iter_args(%scan3A_61 = %broadcast_in_dim3A_42, %scan3A_62 = %broadcast_in_dim3A_44, %scan3A_63 = %broadcast_in_dim3A_46) -> (vector<16xf32>, vector<16xf32>, vector<16xf32>)  : i32 {
      %mul3A_64 = arith.constant 8192 : i32
      %mul3A_65 = arith.muli %scan3A_60, %mul3A_64 : i32
      %add3A_66 = arith.addi %mul3A_40, %mul3A_65 : i32
      "tpu.region"() ({
        %run_scoped3A_73 = tpu.sem_alloc : memref<!tpu.dma_semaphore, #tpu.memory_space<semaphore_mem>>
        %dma_start3A = tpu.memref_slice %arg4[%add3A_66] : memref<28311552xf32, #tpu.memory_space<hbm>> -> memref<8192xf32, #tpu.memory_space<hbm>>
        %dma_start3A_74 = tpu.memref_slice %arg4[%add3A_66] : memref<28311552xf32, #tpu.memory_space<hbm>> -> memref<8192xf32, #tpu.memory_space<hbm>>
        tpu.enqueue_dma source(%dma_start3A_74 : memref<8192xf32, #tpu.memory_space<hbm>>) target(%arg6 : memref<8192xf32, #tpu.memory_space<vmem>>) target_semaphore(%run_scoped3A_73 : memref<!tpu.dma_semaphore, #tpu.memory_space<semaphore_mem>>)
        %dma_wait3A = tpu.memref_slice %arg4[%add3A_66] : memref<28311552xf32, #tpu.memory_space<hbm>> -> memref<8192xf32, #tpu.memory_space<hbm>>
        %dma_wait3A_75 = tpu.memref_slice %arg4[%add3A_66] : memref<28311552xf32, #tpu.memory_space<hbm>> -> memref<8192xf32, #tpu.memory_space<hbm>>
        tpu.wait_dma2 semaphore(%run_scoped3A_73 : memref<!tpu.dma_semaphore, #tpu.memory_space<semaphore_mem>>) src(%dma_wait3A_75 : memref<8192xf32, #tpu.memory_space<hbm>>) dst(%arg6 : memref<8192xf32, #tpu.memory_space<vmem>>)
        tpu.yield
      }) : () -> ()
      %scan3A_67 = arith.constant 0 : i32
      %scan3A_68 = arith.constant 512 : i32
      %scan3A_69 = arith.addi %scan3A_67, %scan3A_68 : i32
      %scan3A_70 = arith.constant 1 : i32
      %scan3A_71:3 = scf.for %scan3A_73 = %scan3A_67 to %scan3A_69 step %scan3A_70 iter_args(%scan3A_74 = %scan3A_61, %scan3A_75 = %scan3A_62, %scan3A_76 = %scan3A_63) -> (vector<16xf32>, vector<16xf32>, vector<16xf32>)  : i32 {
        %mul3A_77 = arith.constant 16 : i32
        %mul3A_78 = arith.muli %scan3A_73, %mul3A_77 : i32
        %get3A = arith.index_cast %mul3A_78 : i32 to index
        %get3A_79 = tpu.vector_load %arg6[%get3A] {strides = array<i32>} : memref<8192xf32, #tpu.memory_space<vmem>>, vector<16xf32>,
        %min3A = arith.minimumf %scan3A_74, %get3A_79 : vector<16xf32>
        %max3A = arith.maximumf %scan3A_75, %get3A_79 : vector<16xf32>
        %abs3A = math.absf %get3A_79 : vector<16xf32>
        %add3A_80 = arith.addf %scan3A_76, %abs3A : vector<16xf32>
        scf.yield %min3A, %max3A, %add3A_80 : vector<16xf32>, vector<16xf32>, vector<16xf32>
      }
      %scan3A_72 = arith.constant 512 : i32
      scf.yield %scan3A_71#0, %scan3A_71#1, %scan3A_71#2 : vector<16xf32>, vector<16xf32>, vector<16xf32>
    }
    %scan3A_52 = arith.constant 108 : i32
    %swap3A_53 = arith.constant 0 : index
    %swap3A_54 = tpu.vector_load %arg7[%swap3A_53] {strides = array<i32>} : memref<48xf32, #tpu.memory_space<vmem>>, vector<16xf32>,
    tpu.vector_store %arg7[%swap3A_53], %scan3A_51#0 {strides = array<i32>} : memref<48xf32, #tpu.memory_space<vmem>>, vector<16xf32>,
    %swap3A_55 = arith.constant 16 : index
    %swap3A_56 = tpu.vector_load %arg7[%swap3A_55] {strides = array<i32>} : memref<48xf32, #tpu.memory_space<vmem>>, vector<16xf32>,
    tpu.vector_store %arg7[%swap3A_55], %scan3A_51#1 {strides = array<i32>} : memref<48xf32, #tpu.memory_space<vmem>>, vector<16xf32>,
    %swap3A_57 = arith.constant 32 : index
    %swap3A_58 = tpu.vector_load %arg7[%swap3A_57] {strides = array<i32>} : memref<48xf32, #tpu.memory_space<vmem>>, vector<16xf32>,
    tpu.vector_store %arg7[%swap3A_57], %scan3A_51#2 {strides = array<i32>} : memref<48xf32, #tpu.memory_space<vmem>>, vector<16xf32>,
    %run_scoped3A_59 = arith.constant 2 : i32
    "tpu.region"() ({
      %run_scoped3A_60 = tpu.sem_alloc : memref<!tpu.dma_semaphore, #tpu.memory_space<semaphore_mem>>
      %dma_start3A = arith.constant 0 : i32
      %dma_start3A_61 = tpu.memref_slice %arg5[%run_scoped3A_59, %add3A, %dma_start3A] : memref<3x32x48xf32, #tpu.memory_space<hbm>> -> memref<1x1x48xf32, #tpu.memory_space<hbm>>
      %dma_start3A_62 = tpu.memref_squeeze %dma_start3A_61 : memref<1x1x48xf32, #tpu.memory_space<hbm>> -> memref<48xf32, #tpu.memory_space<hbm>>
      %dma_start3A_63 = arith.constant 0 : i32
      %dma_start3A_64 = tpu.memref_slice %arg5[%run_scoped3A_59, %add3A, %dma_start3A_63] : memref<3x32x48xf32, #tpu.memory_space<hbm>> -> memref<1x1x48xf32, #tpu.memory_space<hbm>>
      %dma_start3A_65 = tpu.memref_squeeze %dma_start3A_64 : memref<1x1x48xf32, #tpu.memory_space<hbm>> -> memref<48xf32, #tpu.memory_space<hbm>>
      tpu.enqueue_dma source(%arg7 : memref<48xf32, #tpu.memory_space<vmem>>) target(%dma_start3A_65 : memref<48xf32, #tpu.memory_space<hbm>>) target_semaphore(%run_scoped3A_60 : memref<!tpu.dma_semaphore, #tpu.memory_space<semaphore_mem>>)
      %dma_wait3A = arith.constant 0 : i32
      %dma_wait3A_66 = tpu.memref_slice %arg5[%run_scoped3A_59, %add3A, %dma_wait3A] : memref<3x32x48xf32, #tpu.memory_space<hbm>> -> memref<1x1x48xf32, #tpu.memory_space<hbm>>
      %dma_wait3A_67 = tpu.memref_squeeze %dma_wait3A_66 : memref<1x1x48xf32, #tpu.memory_space<hbm>> -> memref<48xf32, #tpu.memory_space<hbm>>
      %dma_wait3A_68 = arith.constant 0 : i32
      %dma_wait3A_69 = tpu.memref_slice %arg5[%run_scoped3A_59, %add3A, %dma_wait3A_68] : memref<3x32x48xf32, #tpu.memory_space<hbm>> -> memref<1x1x48xf32, #tpu.memory_space<hbm>>
      %dma_wait3A_70 = tpu.memref_squeeze %dma_wait3A_69 : memref<1x1x48xf32, #tpu.memory_space<hbm>> -> memref<48xf32, #tpu.memory_space<hbm>>
      tpu.wait_dma2 semaphore(%run_scoped3A_60 : memref<!tpu.dma_semaphore, #tpu.memory_space<semaphore_mem>>) src(%arg7 : memref<48xf32, #tpu.memory_space<vmem>>) dst(%dma_wait3A_70 : memref<48xf32, #tpu.memory_space<hbm>>)
      tpu.yield
    }) : () -> ()
    return
  }
}

#map = affine_map<(d0, d1) -> (0)>
#map1 = affine_map<(d0, d1) -> (0, 0, 0)>
module attributes {stable_mosaic.version = 14 : i64} {
  func.func @_pass2_body(%arg0: i32, %arg1: i32, %arg2: memref<7077888xf32, #tpu.memory_space<hbm>>, %arg3: memref<14155776xf32, #tpu.memory_space<hbm>>, %arg4: memref<28311552xf32, #tpu.memory_space<hbm>>, %arg5: memref<4608xf32, #tpu.memory_space<hbm>>, %arg6: memref<3x32x256xf32, #tpu.memory_space<hbm>>, %arg7: memref<8192xf32, #tpu.memory_space<vmem>>, %arg8: memref<4096xf32, #tpu.memory_space<vmem>>, %arg9: memref<4608xf32, #tpu.memory_space<vmem>>, %arg10: memref<256xf32, #tpu.memory_space<vmem>>) attributes {dimension_semantics = [#tpu.dimension_semantics<core_parallel>, #tpu.dimension_semantics<subcore_parallel>], iteration_bounds = array<i64: 2, 16>, scalar_prefetch = 0 : i64, scratch_operands = 4 : i64, tpu.core_type = #tpu.core_type<sc_vector_subcore>, window_params = [{transform_indices = #map}, {transform_indices = #map}, {transform_indices = #map}, {transform_indices = #map}, {transform_indices = #map1}]} {
    %mul3A = arith.constant 2 : i32
    %mul3A_0 = arith.muli %arg1, %mul3A : i32
    %add3A = arith.addi %mul3A_0, %arg0 : i32
    "tpu.region"() ({
      %run_scoped3A_407 = tpu.sem_alloc : memref<!tpu.dma_semaphore, #tpu.memory_space<semaphore_mem>>
      tpu.enqueue_dma source(%arg5 : memref<4608xf32, #tpu.memory_space<hbm>>) target(%arg9 : memref<4608xf32, #tpu.memory_space<vmem>>) target_semaphore(%run_scoped3A_407 : memref<!tpu.dma_semaphore, #tpu.memory_space<semaphore_mem>>)
      tpu.wait_dma2 semaphore(%run_scoped3A_407 : memref<!tpu.dma_semaphore, #tpu.memory_space<semaphore_mem>>) src(%arg5 : memref<4608xf32, #tpu.memory_space<hbm>>) dst(%arg9 : memref<4608xf32, #tpu.memory_space<vmem>>)
      tpu.yield
    }) : () -> ()
    %iota3A = tpu.iota {dimensions = array<i32: 0>} : vector<16xi32>
    %mul3A_1 = arith.constant 256 : i32
    %mul3A_2 = vector.broadcast %mul3A_1 : i32 to vector<16xi32>
    %mul3A_3 = arith.muli %iota3A, %mul3A_2 : vector<16xi32>
    %broadcast_in_dim3A = arith.constant 1.000000e+00 : f32
    %broadcast_in_dim3A_4 = vector.broadcast %broadcast_in_dim3A : f32 to vector<16xf32>
    %broadcast_in_dim3A_5 = arith.constant 0.000000e+00 : f32
    %broadcast_in_dim3A_6 = vector.broadcast %broadcast_in_dim3A_5 : f32 to vector<16xf32>
    %mul3A_7 = arith.constant 221184 : i32
    %mul3A_8 = arith.muli %add3A, %mul3A_7 : i32
    %broadcast_in_dim3A_9 = arith.constant 0x7F800000 : f32
    %broadcast_in_dim3A_10 = vector.broadcast %broadcast_in_dim3A_9 : f32 to vector<16xf32>
    %broadcast_in_dim3A_11 = arith.constant 0xFF800000 : f32
    %broadcast_in_dim3A_12 = vector.broadcast %broadcast_in_dim3A_11 : f32 to vector<16xf32>
    %scan3A = arith.constant 0 : i32
    %scan3A_13 = arith.constant 32 : i32
    %scan3A_14 = arith.addi %scan3A, %scan3A_13 : i32
    %scan3A_15 = arith.constant 1 : i32
    %scan3A_16:2 = scf.for %scan3A_407 = %scan3A to %scan3A_14 step %scan3A_15 iter_args(%scan3A_408 = %broadcast_in_dim3A_10, %scan3A_409 = %broadcast_in_dim3A_12) -> (vector<16xf32>, vector<16xf32>)  : i32 {
      %add3A_410 = arith.constant 0 : i32
      %add3A_411 = arith.addi %add3A_410, %scan3A_407 : i32
      %mul3A_412 = arith.constant 3 : i32
      %mul3A_413 = arith.muli %add3A_411, %mul3A_412 : i32
      %mul3A_414 = arith.constant 16 : i32
      %mul3A_415 = arith.muli %mul3A_413, %mul3A_414 : i32
      %get3A = arith.index_cast %mul3A_415 : i32 to index
      %get3A_416 = tpu.vector_load %arg9[%get3A] {strides = array<i32>} : memref<4608xf32, #tpu.memory_space<vmem>>, vector<16xf32>,
      %min3A_417 = arith.minimumf %scan3A_408, %get3A_416 : vector<16xf32>
      %add3A_418 = arith.constant 16 : i32
      %add3A_419 = arith.addi %mul3A_415, %add3A_418 : i32
      %get3A_420 = arith.index_cast %add3A_419 : i32 to index
      %get3A_421 = tpu.vector_load %arg9[%get3A_420] {strides = array<i32>} : memref<4608xf32, #tpu.memory_space<vmem>>, vector<16xf32>,
      %max3A_422 = arith.maximumf %scan3A_409, %get3A_421 : vector<16xf32>
      scf.yield %min3A_417, %max3A_422 : vector<16xf32>, vector<16xf32>
    }
    %scan3A_17 = arith.constant 32 : i32
    %slice3A = vector.extract_strided_slice %scan3A_16#0 {offsets = [0], sizes = [1], strides = [1]} : vector<16xf32> to vector<1xf32>
    %squeeze3A = vector.extract %slice3A[0] : f32 from vector<1xf32>
    %slice3A_18 = vector.extract_strided_slice %scan3A_16#1 {offsets = [0], sizes = [1], strides = [1]} : vector<16xf32> to vector<1xf32>
    %squeeze3A_19 = vector.extract %slice3A_18[0] : f32 from vector<1xf32>
    %slice3A_20 = vector.extract_strided_slice %scan3A_16#0 {offsets = [1], sizes = [1], strides = [1]} : vector<16xf32> to vector<1xf32>
    %squeeze3A_21 = vector.extract %slice3A_20[0] : f32 from vector<1xf32>
    %min3A = arith.minimumf %squeeze3A, %squeeze3A_21 : f32
    %slice3A_22 = vector.extract_strided_slice %scan3A_16#1 {offsets = [1], sizes = [1], strides = [1]} : vector<16xf32> to vector<1xf32>
    %squeeze3A_23 = vector.extract %slice3A_22[0] : f32 from vector<1xf32>
    %max3A = arith.maximumf %squeeze3A_19, %squeeze3A_23 : f32
    %slice3A_24 = vector.extract_strided_slice %scan3A_16#0 {offsets = [2], sizes = [1], strides = [1]} : vector<16xf32> to vector<1xf32>
    %squeeze3A_25 = vector.extract %slice3A_24[0] : f32 from vector<1xf32>
    %min3A_26 = arith.minimumf %min3A, %squeeze3A_25 : f32
    %slice3A_27 = vector.extract_strided_slice %scan3A_16#1 {offsets = [2], sizes = [1], strides = [1]} : vector<16xf32> to vector<1xf32>
    %squeeze3A_28 = vector.extract %slice3A_27[0] : f32 from vector<1xf32>
    %max3A_29 = arith.maximumf %max3A, %squeeze3A_28 : f32
    %slice3A_30 = vector.extract_strided_slice %scan3A_16#0 {offsets = [3], sizes = [1], strides = [1]} : vector<16xf32> to vector<1xf32>
    %squeeze3A_31 = vector.extract %slice3A_30[0] : f32 from vector<1xf32>
    %min3A_32 = arith.minimumf %min3A_26, %squeeze3A_31 : f32
    %slice3A_33 = vector.extract_strided_slice %scan3A_16#1 {offsets = [3], sizes = [1], strides = [1]} : vector<16xf32> to vector<1xf32>
    %squeeze3A_34 = vector.extract %slice3A_33[0] : f32 from vector<1xf32>
    %max3A_35 = arith.maximumf %max3A_29, %squeeze3A_34 : f32
    %slice3A_36 = vector.extract_strided_slice %scan3A_16#0 {offsets = [4], sizes = [1], strides = [1]} : vector<16xf32> to vector<1xf32>
    %squeeze3A_37 = vector.extract %slice3A_36[0] : f32 from vector<1xf32>
    %min3A_38 = arith.minimumf %min3A_32, %squeeze3A_37 : f32
    %slice3A_39 = vector.extract_strided_slice %scan3A_16#1 {offsets = [4], sizes = [1], strides = [1]} : vector<16xf32> to vector<1xf32>
    %squeeze3A_40 = vector.extract %slice3A_39[0] : f32 from vector<1xf32>
    %max3A_41 = arith.maximumf %max3A_35, %squeeze3A_40 : f32
    %slice3A_42 = vector.extract_strided_slice %scan3A_16#0 {offsets = [5], sizes = [1], strides = [1]} : vector<16xf32> to vector<1xf32>
    %squeeze3A_43 = vector.extract %slice3A_42[0] : f32 from vector<1xf32>
    %min3A_44 = arith.minimumf %min3A_38, %squeeze3A_43 : f32
    %slice3A_45 = vector.extract_strided_slice %scan3A_16#1 {offsets = [5], sizes = [1], strides = [1]} : vector<16xf32> to vector<1xf32>
    %squeeze3A_46 = vector.extract %slice3A_45[0] : f32 from vector<1xf32>
    %max3A_47 = arith.maximumf %max3A_41, %squeeze3A_46 : f32
    %slice3A_48 = vector.extract_strided_slice %scan3A_16#0 {offsets = [6], sizes = [1], strides = [1]} : vector<16xf32> to vector<1xf32>
    %squeeze3A_49 = vector.extract %slice3A_48[0] : f32 from vector<1xf32>
    %min3A_50 = arith.minimumf %min3A_44, %squeeze3A_49 : f32
    %slice3A_51 = vector.extract_strided_slice %scan3A_16#1 {offsets = [6], sizes = [1], strides = [1]} : vector<16xf32> to vector<1xf32>
    %squeeze3A_52 = vector.extract %slice3A_51[0] : f32 from vector<1xf32>
    %max3A_53 = arith.maximumf %max3A_47, %squeeze3A_52 : f32
    %slice3A_54 = vector.extract_strided_slice %scan3A_16#0 {offsets = [7], sizes = [1], strides = [1]} : vector<16xf32> to vector<1xf32>
    %squeeze3A_55 = vector.extract %slice3A_54[0] : f32 from vector<1xf32>
    %min3A_56 = arith.minimumf %min3A_50, %squeeze3A_55 : f32
    %slice3A_57 = vector.extract_strided_slice %scan3A_16#1 {offsets = [7], sizes = [1], strides = [1]} : vector<16xf32> to vector<1xf32>
    %squeeze3A_58 = vector.extract %slice3A_57[0] : f32 from vector<1xf32>
    %max3A_59 = arith.maximumf %max3A_53, %squeeze3A_58 : f32
    %slice3A_60 = vector.extract_strided_slice %scan3A_16#0 {offsets = [8], sizes = [1], strides = [1]} : vector<16xf32> to vector<1xf32>
    %squeeze3A_61 = vector.extract %slice3A_60[0] : f32 from vector<1xf32>
    %min3A_62 = arith.minimumf %min3A_56, %squeeze3A_61 : f32
    %slice3A_63 = vector.extract_strided_slice %scan3A_16#1 {offsets = [8], sizes = [1], strides = [1]} : vector<16xf32> to vector<1xf32>
    %squeeze3A_64 = vector.extract %slice3A_63[0] : f32 from vector<1xf32>
    %max3A_65 = arith.maximumf %max3A_59, %squeeze3A_64 : f32
    %slice3A_66 = vector.extract_strided_slice %scan3A_16#0 {offsets = [9], sizes = [1], strides = [1]} : vector<16xf32> to vector<1xf32>
    %squeeze3A_67 = vector.extract %slice3A_66[0] : f32 from vector<1xf32>
    %min3A_68 = arith.minimumf %min3A_62, %squeeze3A_67 : f32
    %slice3A_69 = vector.extract_strided_slice %scan3A_16#1 {offsets = [9], sizes = [1], strides = [1]} : vector<16xf32> to vector<1xf32>
    %squeeze3A_70 = vector.extract %slice3A_69[0] : f32 from vector<1xf32>
    %max3A_71 = arith.maximumf %max3A_65, %squeeze3A_70 : f32
    %slice3A_72 = vector.extract_strided_slice %scan3A_16#0 {offsets = [10], sizes = [1], strides = [1]} : vector<16xf32> to vector<1xf32>
    %squeeze3A_73 = vector.extract %slice3A_72[0] : f32 from vector<1xf32>
    %min3A_74 = arith.minimumf %min3A_68, %squeeze3A_73 : f32
    %slice3A_75 = vector.extract_strided_slice %scan3A_16#1 {offsets = [10], sizes = [1], strides = [1]} : vector<16xf32> to vector<1xf32>
    %squeeze3A_76 = vector.extract %slice3A_75[0] : f32 from vector<1xf32>
    %max3A_77 = arith.maximumf %max3A_71, %squeeze3A_76 : f32
    %slice3A_78 = vector.extract_strided_slice %scan3A_16#0 {offsets = [11], sizes = [1], strides = [1]} : vector<16xf32> to vector<1xf32>
    %squeeze3A_79 = vector.extract %slice3A_78[0] : f32 from vector<1xf32>
    %min3A_80 = arith.minimumf %min3A_74, %squeeze3A_79 : f32
    %slice3A_81 = vector.extract_strided_slice %scan3A_16#1 {offsets = [11], sizes = [1], strides = [1]} : vector<16xf32> to vector<1xf32>
    %squeeze3A_82 = vector.extract %slice3A_81[0] : f32 from vector<1xf32>
    %max3A_83 = arith.maximumf %max3A_77, %squeeze3A_82 : f32
    %slice3A_84 = vector.extract_strided_slice %scan3A_16#0 {offsets = [12], sizes = [1], strides = [1]} : vector<16xf32> to vector<1xf32>
    %squeeze3A_85 = vector.extract %slice3A_84[0] : f32 from vector<1xf32>
    %min3A_86 = arith.minimumf %min3A_80, %squeeze3A_85 : f32
    %slice3A_87 = vector.extract_strided_slice %scan3A_16#1 {offsets = [12], sizes = [1], strides = [1]} : vector<16xf32> to vector<1xf32>
    %squeeze3A_88 = vector.extract %slice3A_87[0] : f32 from vector<1xf32>
    %max3A_89 = arith.maximumf %max3A_83, %squeeze3A_88 : f32
    %slice3A_90 = vector.extract_strided_slice %scan3A_16#0 {offsets = [13], sizes = [1], strides = [1]} : vector<16xf32> to vector<1xf32>
    %squeeze3A_91 = vector.extract %slice3A_90[0] : f32 from vector<1xf32>
    %min3A_92 = arith.minimumf %min3A_86, %squeeze3A_91 : f32
    %slice3A_93 = vector.extract_strided_slice %scan3A_16#1 {offsets = [13], sizes = [1], strides = [1]} : vector<16xf32> to vector<1xf32>
    %squeeze3A_94 = vector.extract %slice3A_93[0] : f32 from vector<1xf32>
    %max3A_95 = arith.maximumf %max3A_89, %squeeze3A_94 : f32
    %slice3A_96 = vector.extract_strided_slice %scan3A_16#0 {offsets = [14], sizes = [1], strides = [1]} : vector<16xf32> to vector<1xf32>
    %squeeze3A_97 = vector.extract %slice3A_96[0] : f32 from vector<1xf32>
    %min3A_98 = arith.minimumf %min3A_92, %squeeze3A_97 : f32
    %slice3A_99 = vector.extract_strided_slice %scan3A_16#1 {offsets = [14], sizes = [1], strides = [1]} : vector<16xf32> to vector<1xf32>
    %squeeze3A_100 = vector.extract %slice3A_99[0] : f32 from vector<1xf32>
    %max3A_101 = arith.maximumf %max3A_95, %squeeze3A_100 : f32
    %slice3A_102 = vector.extract_strided_slice %scan3A_16#0 {offsets = [15], sizes = [1], strides = [1]} : vector<16xf32> to vector<1xf32>
    %squeeze3A_103 = vector.extract %slice3A_102[0] : f32 from vector<1xf32>
    %min3A_104 = arith.minimumf %min3A_98, %squeeze3A_103 : f32
    %slice3A_105 = vector.extract_strided_slice %scan3A_16#1 {offsets = [15], sizes = [1], strides = [1]} : vector<16xf32> to vector<1xf32>
    %squeeze3A_106 = vector.extract %slice3A_105[0] : f32 from vector<1xf32>
    %max3A_107 = arith.maximumf %max3A_101, %squeeze3A_106 : f32
    %broadcast_in_dim3A_108 = vector.broadcast %min3A_104 : f32 to vector<16xf32>
    %sub3A = arith.subf %max3A_107, %min3A_104 : f32
    %add3A_109 = arith.constant 9.99999993E-9 : f32
    %add3A_110 = arith.addf %sub3A, %add3A_109 : f32
    %broadcast_in_dim3A_111 = vector.broadcast %add3A_110 : f32 to vector<16xf32>
    %div3A = arith.constant 2.560000e+02 : f32
    %div3A_112 = vector.broadcast %div3A : f32 to vector<16xf32>
    %div3A_113 = arith.divf %div3A_112, %broadcast_in_dim3A_111 : vector<16xf32>
    %scan3A_114 = arith.constant 0 : i32
    %scan3A_115 = arith.constant 0 : i32
    %scan3A_116 = arith.constant 256 : i32
    %scan3A_117 = arith.addi %scan3A_115, %scan3A_116 : i32
    %scan3A_118 = arith.constant 1 : i32
    %scan3A_119 = scf.for %scan3A_407 = %scan3A_115 to %scan3A_117 step %scan3A_118 iter_args(%scan3A_408 = %scan3A_114) -> (i32)  : i32 {
      %mul3A_409 = arith.constant 16 : i32
      %mul3A_410 = arith.muli %scan3A_407, %mul3A_409 : i32
      %swap3A = arith.index_cast %mul3A_410 : i32 to index
      %swap3A_411 = tpu.vector_load %arg8[%swap3A] {strides = array<i32>} : memref<4096xf32, #tpu.memory_space<vmem>>, vector<16xf32>,
      tpu.vector_store %arg8[%swap3A], %broadcast_in_dim3A_6 {strides = array<i32>} : memref<4096xf32, #tpu.memory_space<vmem>>, vector<16xf32>,
      %scan3A_412 = arith.constant 0 : i32
      scf.yield %scan3A_412 : i32
    }
    %scan3A_120 = arith.constant 256 : i32
    %scan3A_121 = arith.constant 0 : i32
    %scan3A_122 = arith.constant 0 : i32
    %scan3A_123 = arith.constant 27 : i32
    %scan3A_124 = arith.addi %scan3A_122, %scan3A_123 : i32
    %scan3A_125 = arith.constant 1 : i32
    %scan3A_126 = scf.for %scan3A_407 = %scan3A_122 to %scan3A_124 step %scan3A_125 iter_args(%scan3A_408 = %scan3A_121) -> (i32)  : i32 {
      %mul3A_409 = arith.constant 8192 : i32
      %mul3A_410 = arith.muli %scan3A_407, %mul3A_409 : i32
      %add3A_411 = arith.addi %mul3A_8, %mul3A_410 : i32
      "tpu.region"() ({
        %run_scoped3A_419 = tpu.sem_alloc : memref<!tpu.dma_semaphore, #tpu.memory_space<semaphore_mem>>
        %dma_start3A = tpu.memref_slice %arg2[%add3A_411] : memref<7077888xf32, #tpu.memory_space<hbm>> -> memref<8192xf32, #tpu.memory_space<hbm>>
        %dma_start3A_420 = tpu.memref_slice %arg2[%add3A_411] : memref<7077888xf32, #tpu.memory_space<hbm>> -> memref<8192xf32, #tpu.memory_space<hbm>>
        tpu.enqueue_dma source(%dma_start3A_420 : memref<8192xf32, #tpu.memory_space<hbm>>) target(%arg7 : memref<8192xf32, #tpu.memory_space<vmem>>) target_semaphore(%run_scoped3A_419 : memref<!tpu.dma_semaphore, #tpu.memory_space<semaphore_mem>>)
        %dma_wait3A = tpu.memref_slice %arg2[%add3A_411] : memref<7077888xf32, #tpu.memory_space<hbm>> -> memref<8192xf32, #tpu.memory_space<hbm>>
        %dma_wait3A_421 = tpu.memref_slice %arg2[%add3A_411] : memref<7077888xf32, #tpu.memory_space<hbm>> -> memref<8192xf32, #tpu.memory_space<hbm>>
        tpu.wait_dma2 semaphore(%run_scoped3A_419 : memref<!tpu.dma_semaphore, #tpu.memory_space<semaphore_mem>>) src(%dma_wait3A_421 : memref<8192xf32, #tpu.memory_space<hbm>>) dst(%arg7 : memref<8192xf32, #tpu.memory_space<vmem>>)
        tpu.yield
      }) : () -> ()
      %scan3A_412 = arith.constant 0 : i32
      %scan3A_413 = arith.constant 0 : i32
      %scan3A_414 = arith.constant 512 : i32
      %scan3A_415 = arith.addi %scan3A_413, %scan3A_414 : i32
      %scan3A_416 = arith.constant 1 : i32
      %scan3A_417 = scf.for %scan3A_419 = %scan3A_413 to %scan3A_415 step %scan3A_416 iter_args(%scan3A_420 = %scan3A_412) -> (i32)  : i32 {
        %mul3A_421 = arith.constant 16 : i32
        %mul3A_422 = arith.muli %scan3A_419, %mul3A_421 : i32
        %get3A = arith.index_cast %mul3A_422 : i32 to index
        %get3A_423 = tpu.vector_load %arg7[%get3A] {strides = array<i32>} : memref<8192xf32, #tpu.memory_space<vmem>>, vector<16xf32>,
        %sub3A_424 = arith.subf %get3A_423, %broadcast_in_dim3A_108 : vector<16xf32>
        %mul3A_425 = arith.mulf %sub3A_424, %div3A_113 : vector<16xf32>
        %convert_element_type3A = arith.fptosi %mul3A_425 : vector<16xf32> to vector<16xi32>
        %jit3A = arith.constant 0 : i32
        %jit3A_426 = arith.constant 255 : i32
        %max3A_427 = vector.broadcast %jit3A : i32 to vector<16xi32>
        %max3A_428 = arith.maxsi %max3A_427, %convert_element_type3A : vector<16xi32>
        %min3A_429 = vector.broadcast %jit3A_426 : i32 to vector<16xi32>
        %min3A_430 = arith.minsi %min3A_429, %max3A_428 : vector<16xi32>
        %add3A_431 = arith.addi %mul3A_3, %min3A_430 : vector<16xi32>
        tpu.vector_store_idx %arg8[%add3A_431], %broadcast_in_dim3A_4 {add = true} : memref<4096xf32, #tpu.memory_space<vmem>>[vector<16xi32>], vector<16xf32>,
        %scan3A_432 = arith.constant 0 : i32
        scf.yield %scan3A_432 : i32
      }
      %scan3A_418 = arith.constant 512 : i32
      scf.yield %scan3A_417 : i32
    }
    %scan3A_127 = arith.constant 27 : i32
    %scan3A_128 = arith.constant 0 : i32
    %scan3A_129 = arith.constant 0 : i32
    %scan3A_130 = arith.constant 16 : i32
    %scan3A_131 = arith.addi %scan3A_129, %scan3A_130 : i32
    %scan3A_132 = arith.constant 1 : i32
    %scan3A_133 = scf.for %scan3A_407 = %scan3A_129 to %scan3A_131 step %scan3A_132 iter_args(%scan3A_408 = %scan3A_128) -> (i32)  : i32 {
      %scan3A_409 = arith.constant 0 : i32
      %scan3A_410 = arith.constant 16 : i32
      %scan3A_411 = arith.addi %scan3A_409, %scan3A_410 : i32
      %scan3A_412 = arith.constant 1 : i32
      %scan3A_413 = scf.for %scan3A_419 = %scan3A_409 to %scan3A_411 step %scan3A_412 iter_args(%scan3A_420 = %broadcast_in_dim3A_6) -> (vector<16xf32>)  : i32 {
        %mul3A_421 = arith.constant 256 : i32
        %mul3A_422 = arith.muli %scan3A_419, %mul3A_421 : i32
        %mul3A_423 = arith.constant 16 : i32
        %mul3A_424 = arith.muli %scan3A_407, %mul3A_423 : i32
        %add3A_425 = arith.addi %mul3A_422, %mul3A_424 : i32
        %get3A = arith.index_cast %add3A_425 : i32 to index
        %get3A_426 = tpu.vector_load %arg8[%get3A] {strides = array<i32>} : memref<4096xf32, #tpu.memory_space<vmem>>, vector<16xf32>,
        %add3A_427 = arith.addf %scan3A_420, %get3A_426 : vector<16xf32>
        scf.yield %add3A_427 : vector<16xf32>
      }
      %scan3A_414 = arith.constant 16 : i32
      %mul3A_415 = arith.constant 16 : i32
      %mul3A_416 = arith.muli %scan3A_407, %mul3A_415 : i32
      %swap3A = arith.index_cast %mul3A_416 : i32 to index
      %swap3A_417 = tpu.vector_load %arg10[%swap3A] {strides = array<i32>} : memref<256xf32, #tpu.memory_space<vmem>>, vector<16xf32>,
      tpu.vector_store %arg10[%swap3A], %scan3A_413 {strides = array<i32>} : memref<256xf32, #tpu.memory_space<vmem>>, vector<16xf32>,
      %scan3A_418 = arith.constant 0 : i32
      scf.yield %scan3A_418 : i32
    }
    %scan3A_134 = arith.constant 16 : i32
    %run_scoped3A = arith.constant 0 : i32
    "tpu.region"() ({
      %run_scoped3A_407 = tpu.sem_alloc : memref<!tpu.dma_semaphore, #tpu.memory_space<semaphore_mem>>
      %dma_start3A = arith.constant 0 : i32
      %dma_start3A_408 = tpu.memref_slice %arg6[%run_scoped3A, %add3A, %dma_start3A] : memref<3x32x256xf32, #tpu.memory_space<hbm>> -> memref<1x1x256xf32, #tpu.memory_space<hbm>>
      %dma_start3A_409 = tpu.memref_squeeze %dma_start3A_408 : memref<1x1x256xf32, #tpu.memory_space<hbm>> -> memref<256xf32, #tpu.memory_space<hbm>>
      %dma_start3A_410 = arith.constant 0 : i32
      %dma_start3A_411 = tpu.memref_slice %arg6[%run_scoped3A, %add3A, %dma_start3A_410] : memref<3x32x256xf32, #tpu.memory_space<hbm>> -> memref<1x1x256xf32, #tpu.memory_space<hbm>>
      %dma_start3A_412 = tpu.memref_squeeze %dma_start3A_411 : memref<1x1x256xf32, #tpu.memory_space<hbm>> -> memref<256xf32, #tpu.memory_space<hbm>>
      tpu.enqueue_dma source(%arg10 : memref<256xf32, #tpu.memory_space<vmem>>) target(%dma_start3A_412 : memref<256xf32, #tpu.memory_space<hbm>>) target_semaphore(%run_scoped3A_407 : memref<!tpu.dma_semaphore, #tpu.memory_space<semaphore_mem>>)
      %dma_wait3A = arith.constant 0 : i32
      %dma_wait3A_413 = tpu.memref_slice %arg6[%run_scoped3A, %add3A, %dma_wait3A] : memref<3x32x256xf32, #tpu.memory_space<hbm>> -> memref<1x1x256xf32, #tpu.memory_space<hbm>>
      %dma_wait3A_414 = tpu.memref_squeeze %dma_wait3A_413 : memref<1x1x256xf32, #tpu.memory_space<hbm>> -> memref<256xf32, #tpu.memory_space<hbm>>
      %dma_wait3A_415 = arith.constant 0 : i32
      %dma_wait3A_416 = tpu.memref_slice %arg6[%run_scoped3A, %add3A, %dma_wait3A_415] : memref<3x32x256xf32, #tpu.memory_space<hbm>> -> memref<1x1x256xf32, #tpu.memory_space<hbm>>
      %dma_wait3A_417 = tpu.memref_squeeze %dma_wait3A_416 : memref<1x1x256xf32, #tpu.memory_space<hbm>> -> memref<256xf32, #tpu.memory_space<hbm>>
      tpu.wait_dma2 semaphore(%run_scoped3A_407 : memref<!tpu.dma_semaphore, #tpu.memory_space<semaphore_mem>>) src(%arg10 : memref<256xf32, #tpu.memory_space<vmem>>) dst(%dma_wait3A_417 : memref<256xf32, #tpu.memory_space<hbm>>)
      tpu.yield
    }) : () -> ()
    %mul3A_135 = arith.constant 442368 : i32
    %mul3A_136 = arith.muli %add3A, %mul3A_135 : i32
    %broadcast_in_dim3A_137 = arith.constant 0x7F800000 : f32
    %broadcast_in_dim3A_138 = vector.broadcast %broadcast_in_dim3A_137 : f32 to vector<16xf32>
    %broadcast_in_dim3A_139 = arith.constant 0xFF800000 : f32
    %broadcast_in_dim3A_140 = vector.broadcast %broadcast_in_dim3A_139 : f32 to vector<16xf32>
    %scan3A_141 = arith.constant 0 : i32
    %scan3A_142 = arith.constant 32 : i32
    %scan3A_143 = arith.addi %scan3A_141, %scan3A_142 : i32
    %scan3A_144 = arith.constant 1 : i32
    %scan3A_145:2 = scf.for %scan3A_407 = %scan3A_141 to %scan3A_143 step %scan3A_144 iter_args(%scan3A_408 = %broadcast_in_dim3A_138, %scan3A_409 = %broadcast_in_dim3A_140) -> (vector<16xf32>, vector<16xf32>)  : i32 {
      %add3A_410 = arith.constant 32 : i32
      %add3A_411 = arith.addi %add3A_410, %scan3A_407 : i32
      %mul3A_412 = arith.constant 3 : i32
      %mul3A_413 = arith.muli %add3A_411, %mul3A_412 : i32
      %mul3A_414 = arith.constant 16 : i32
      %mul3A_415 = arith.muli %mul3A_413, %mul3A_414 : i32
      %get3A = arith.index_cast %mul3A_415 : i32 to index
      %get3A_416 = tpu.vector_load %arg9[%get3A] {strides = array<i32>} : memref<4608xf32, #tpu.memory_space<vmem>>, vector<16xf32>,
      %min3A_417 = arith.minimumf %scan3A_408, %get3A_416 : vector<16xf32>
      %add3A_418 = arith.constant 16 : i32
      %add3A_419 = arith.addi %mul3A_415, %add3A_418 : i32
      %get3A_420 = arith.index_cast %add3A_419 : i32 to index
      %get3A_421 = tpu.vector_load %arg9[%get3A_420] {strides = array<i32>} : memref<4608xf32, #tpu.memory_space<vmem>>, vector<16xf32>,
      %max3A_422 = arith.maximumf %scan3A_409, %get3A_421 : vector<16xf32>
      scf.yield %min3A_417, %max3A_422 : vector<16xf32>, vector<16xf32>
    }
    %scan3A_146 = arith.constant 32 : i32
    %slice3A_147 = vector.extract_strided_slice %scan3A_145#0 {offsets = [0], sizes = [1], strides = [1]} : vector<16xf32> to vector<1xf32>
    %squeeze3A_148 = vector.extract %slice3A_147[0] : f32 from vector<1xf32>
    %slice3A_149 = vector.extract_strided_slice %scan3A_145#1 {offsets = [0], sizes = [1], strides = [1]} : vector<16xf32> to vector<1xf32>
    %squeeze3A_150 = vector.extract %slice3A_149[0] : f32 from vector<1xf32>
    %slice3A_151 = vector.extract_strided_slice %scan3A_145#0 {offsets = [1], sizes = [1], strides = [1]} : vector<16xf32> to vector<1xf32>
    %squeeze3A_152 = vector.extract %slice3A_151[0] : f32 from vector<1xf32>
    %min3A_153 = arith.minimumf %squeeze3A_148, %squeeze3A_152 : f32
    %slice3A_154 = vector.extract_strided_slice %scan3A_145#1 {offsets = [1], sizes = [1], strides = [1]} : vector<16xf32> to vector<1xf32>
    %squeeze3A_155 = vector.extract %slice3A_154[0] : f32 from vector<1xf32>
    %max3A_156 = arith.maximumf %squeeze3A_150, %squeeze3A_155 : f32
    %slice3A_157 = vector.extract_strided_slice %scan3A_145#0 {offsets = [2], sizes = [1], strides = [1]} : vector<16xf32> to vector<1xf32>
    %squeeze3A_158 = vector.extract %slice3A_157[0] : f32 from vector<1xf32>
    %min3A_159 = arith.minimumf %min3A_153, %squeeze3A_158 : f32
    %slice3A_160 = vector.extract_strided_slice %scan3A_145#1 {offsets = [2], sizes = [1], strides = [1]} : vector<16xf32> to vector<1xf32>
    %squeeze3A_161 = vector.extract %slice3A_160[0] : f32 from vector<1xf32>
    %max3A_162 = arith.maximumf %max3A_156, %squeeze3A_161 : f32
    %slice3A_163 = vector.extract_strided_slice %scan3A_145#0 {offsets = [3], sizes = [1], strides = [1]} : vector<16xf32> to vector<1xf32>
    %squeeze3A_164 = vector.extract %slice3A_163[0] : f32 from vector<1xf32>
    %min3A_165 = arith.minimumf %min3A_159, %squeeze3A_164 : f32
    %slice3A_166 = vector.extract_strided_slice %scan3A_145#1 {offsets = [3], sizes = [1], strides = [1]} : vector<16xf32> to vector<1xf32>
    %squeeze3A_167 = vector.extract %slice3A_166[0] : f32 from vector<1xf32>
    %max3A_168 = arith.maximumf %max3A_162, %squeeze3A_167 : f32
    %slice3A_169 = vector.extract_strided_slice %scan3A_145#0 {offsets = [4], sizes = [1], strides = [1]} : vector<16xf32> to vector<1xf32>
    %squeeze3A_170 = vector.extract %slice3A_169[0] : f32 from vector<1xf32>
    %min3A_171 = arith.minimumf %min3A_165, %squeeze3A_170 : f32
    %slice3A_172 = vector.extract_strided_slice %scan3A_145#1 {offsets = [4], sizes = [1], strides = [1]} : vector<16xf32> to vector<1xf32>
    %squeeze3A_173 = vector.extract %slice3A_172[0] : f32 from vector<1xf32>
    %max3A_174 = arith.maximumf %max3A_168, %squeeze3A_173 : f32
    %slice3A_175 = vector.extract_strided_slice %scan3A_145#0 {offsets = [5], sizes = [1], strides = [1]} : vector<16xf32> to vector<1xf32>
    %squeeze3A_176 = vector.extract %slice3A_175[0] : f32 from vector<1xf32>
    %min3A_177 = arith.minimumf %min3A_171, %squeeze3A_176 : f32
    %slice3A_178 = vector.extract_strided_slice %scan3A_145#1 {offsets = [5], sizes = [1], strides = [1]} : vector<16xf32> to vector<1xf32>
    %squeeze3A_179 = vector.extract %slice3A_178[0] : f32 from vector<1xf32>
    %max3A_180 = arith.maximumf %max3A_174, %squeeze3A_179 : f32
    %slice3A_181 = vector.extract_strided_slice %scan3A_145#0 {offsets = [6], sizes = [1], strides = [1]} : vector<16xf32> to vector<1xf32>
    %squeeze3A_182 = vector.extract %slice3A_181[0] : f32 from vector<1xf32>
    %min3A_183 = arith.minimumf %min3A_177, %squeeze3A_182 : f32
    %slice3A_184 = vector.extract_strided_slice %scan3A_145#1 {offsets = [6], sizes = [1], strides = [1]} : vector<16xf32> to vector<1xf32>
    %squeeze3A_185 = vector.extract %slice3A_184[0] : f32 from vector<1xf32>
    %max3A_186 = arith.maximumf %max3A_180, %squeeze3A_185 : f32
    %slice3A_187 = vector.extract_strided_slice %scan3A_145#0 {offsets = [7], sizes = [1], strides = [1]} : vector<16xf32> to vector<1xf32>
    %squeeze3A_188 = vector.extract %slice3A_187[0] : f32 from vector<1xf32>
    %min3A_189 = arith.minimumf %min3A_183, %squeeze3A_188 : f32
    %slice3A_190 = vector.extract_strided_slice %scan3A_145#1 {offsets = [7], sizes = [1], strides = [1]} : vector<16xf32> to vector<1xf32>
    %squeeze3A_191 = vector.extract %slice3A_190[0] : f32 from vector<1xf32>
    %max3A_192 = arith.maximumf %max3A_186, %squeeze3A_191 : f32
    %slice3A_193 = vector.extract_strided_slice %scan3A_145#0 {offsets = [8], sizes = [1], strides = [1]} : vector<16xf32> to vector<1xf32>
    %squeeze3A_194 = vector.extract %slice3A_193[0] : f32 from vector<1xf32>
    %min3A_195 = arith.minimumf %min3A_189, %squeeze3A_194 : f32
    %slice3A_196 = vector.extract_strided_slice %scan3A_145#1 {offsets = [8], sizes = [1], strides = [1]} : vector<16xf32> to vector<1xf32>
    %squeeze3A_197 = vector.extract %slice3A_196[0] : f32 from vector<1xf32>
    %max3A_198 = arith.maximumf %max3A_192, %squeeze3A_197 : f32
    %slice3A_199 = vector.extract_strided_slice %scan3A_145#0 {offsets = [9], sizes = [1], strides = [1]} : vector<16xf32> to vector<1xf32>
    %squeeze3A_200 = vector.extract %slice3A_199[0] : f32 from vector<1xf32>
    %min3A_201 = arith.minimumf %min3A_195, %squeeze3A_200 : f32
    %slice3A_202 = vector.extract_strided_slice %scan3A_145#1 {offsets = [9], sizes = [1], strides = [1]} : vector<16xf32> to vector<1xf32>
    %squeeze3A_203 = vector.extract %slice3A_202[0] : f32 from vector<1xf32>
    %max3A_204 = arith.maximumf %max3A_198, %squeeze3A_203 : f32
    %slice3A_205 = vector.extract_strided_slice %scan3A_145#0 {offsets = [10], sizes = [1], strides = [1]} : vector<16xf32> to vector<1xf32>
    %squeeze3A_206 = vector.extract %slice3A_205[0] : f32 from vector<1xf32>
    %min3A_207 = arith.minimumf %min3A_201, %squeeze3A_206 : f32
    %slice3A_208 = vector.extract_strided_slice %scan3A_145#1 {offsets = [10], sizes = [1], strides = [1]} : vector<16xf32> to vector<1xf32>
    %squeeze3A_209 = vector.extract %slice3A_208[0] : f32 from vector<1xf32>
    %max3A_210 = arith.maximumf %max3A_204, %squeeze3A_209 : f32
    %slice3A_211 = vector.extract_strided_slice %scan3A_145#0 {offsets = [11], sizes = [1], strides = [1]} : vector<16xf32> to vector<1xf32>
    %squeeze3A_212 = vector.extract %slice3A_211[0] : f32 from vector<1xf32>
    %min3A_213 = arith.minimumf %min3A_207, %squeeze3A_212 : f32
    %slice3A_214 = vector.extract_strided_slice %scan3A_145#1 {offsets = [11], sizes = [1], strides = [1]} : vector<16xf32> to vector<1xf32>
    %squeeze3A_215 = vector.extract %slice3A_214[0] : f32 from vector<1xf32>
    %max3A_216 = arith.maximumf %max3A_210, %squeeze3A_215 : f32
    %slice3A_217 = vector.extract_strided_slice %scan3A_145#0 {offsets = [12], sizes = [1], strides = [1]} : vector<16xf32> to vector<1xf32>
    %squeeze3A_218 = vector.extract %slice3A_217[0] : f32 from vector<1xf32>
    %min3A_219 = arith.minimumf %min3A_213, %squeeze3A_218 : f32
    %slice3A_220 = vector.extract_strided_slice %scan3A_145#1 {offsets = [12], sizes = [1], strides = [1]} : vector<16xf32> to vector<1xf32>
    %squeeze3A_221 = vector.extract %slice3A_220[0] : f32 from vector<1xf32>
    %max3A_222 = arith.maximumf %max3A_216, %squeeze3A_221 : f32
    %slice3A_223 = vector.extract_strided_slice %scan3A_145#0 {offsets = [13], sizes = [1], strides = [1]} : vector<16xf32> to vector<1xf32>
    %squeeze3A_224 = vector.extract %slice3A_223[0] : f32 from vector<1xf32>
    %min3A_225 = arith.minimumf %min3A_219, %squeeze3A_224 : f32
    %slice3A_226 = vector.extract_strided_slice %scan3A_145#1 {offsets = [13], sizes = [1], strides = [1]} : vector<16xf32> to vector<1xf32>
    %squeeze3A_227 = vector.extract %slice3A_226[0] : f32 from vector<1xf32>
    %max3A_228 = arith.maximumf %max3A_222, %squeeze3A_227 : f32
    %slice3A_229 = vector.extract_strided_slice %scan3A_145#0 {offsets = [14], sizes = [1], strides = [1]} : vector<16xf32> to vector<1xf32>
    %squeeze3A_230 = vector.extract %slice3A_229[0] : f32 from vector<1xf32>
    %min3A_231 = arith.minimumf %min3A_225, %squeeze3A_230 : f32
    %slice3A_232 = vector.extract_strided_slice %scan3A_145#1 {offsets = [14], sizes = [1], strides = [1]} : vector<16xf32> to vector<1xf32>
    %squeeze3A_233 = vector.extract %slice3A_232[0] : f32 from vector<1xf32>
    %max3A_234 = arith.maximumf %max3A_228, %squeeze3A_233 : f32
    %slice3A_235 = vector.extract_strided_slice %scan3A_145#0 {offsets = [15], sizes = [1], strides = [1]} : vector<16xf32> to vector<1xf32>
    %squeeze3A_236 = vector.extract %slice3A_235[0] : f32 from vector<1xf32>
    %min3A_237 = arith.minimumf %min3A_231, %squeeze3A_236 : f32
    %slice3A_238 = vector.extract_strided_slice %scan3A_145#1 {offsets = [15], sizes = [1], strides = [1]} : vector<16xf32> to vector<1xf32>
    %squeeze3A_239 = vector.extract %slice3A_238[0] : f32 from vector<1xf32>
    %max3A_240 = arith.maximumf %max3A_234, %squeeze3A_239 : f32
    %broadcast_in_dim3A_241 = vector.broadcast %min3A_237 : f32 to vector<16xf32>
    %sub3A_242 = arith.subf %max3A_240, %min3A_237 : f32
    %add3A_243 = arith.constant 9.99999993E-9 : f32
    %add3A_244 = arith.addf %sub3A_242, %add3A_243 : f32
    %broadcast_in_dim3A_245 = vector.broadcast %add3A_244 : f32 to vector<16xf32>
    %div3A_246 = arith.constant 2.560000e+02 : f32
    %div3A_247 = vector.broadcast %div3A_246 : f32 to vector<16xf32>
    %div3A_248 = arith.divf %div3A_247, %broadcast_in_dim3A_245 : vector<16xf32>
    %scan3A_249 = arith.constant 0 : i32
    %scan3A_250 = arith.constant 0 : i32
    %scan3A_251 = arith.constant 256 : i32
    %scan3A_252 = arith.addi %scan3A_250, %scan3A_251 : i32
    %scan3A_253 = arith.constant 1 : i32
    %scan3A_254 = scf.for %scan3A_407 = %scan3A_250 to %scan3A_252 step %scan3A_253 iter_args(%scan3A_408 = %scan3A_249) -> (i32)  : i32 {
      %mul3A_409 = arith.constant 16 : i32
      %mul3A_410 = arith.muli %scan3A_407, %mul3A_409 : i32
      %swap3A = arith.index_cast %mul3A_410 : i32 to index
      %swap3A_411 = tpu.vector_load %arg8[%swap3A] {strides = array<i32>} : memref<4096xf32, #tpu.memory_space<vmem>>, vector<16xf32>,
      tpu.vector_store %arg8[%swap3A], %broadcast_in_dim3A_6 {strides = array<i32>} : memref<4096xf32, #tpu.memory_space<vmem>>, vector<16xf32>,
      %scan3A_412 = arith.constant 0 : i32
      scf.yield %scan3A_412 : i32
    }
    %scan3A_255 = arith.constant 256 : i32
    %scan3A_256 = arith.constant 0 : i32
    %scan3A_257 = arith.constant 0 : i32
    %scan3A_258 = arith.constant 54 : i32
    %scan3A_259 = arith.addi %scan3A_257, %scan3A_258 : i32
    %scan3A_260 = arith.constant 1 : i32
    %scan3A_261 = scf.for %scan3A_407 = %scan3A_257 to %scan3A_259 step %scan3A_260 iter_args(%scan3A_408 = %scan3A_256) -> (i32)  : i32 {
      %mul3A_409 = arith.constant 8192 : i32
      %mul3A_410 = arith.muli %scan3A_407, %mul3A_409 : i32
      %add3A_411 = arith.addi %mul3A_136, %mul3A_410 : i32
      "tpu.region"() ({
        %run_scoped3A_419 = tpu.sem_alloc : memref<!tpu.dma_semaphore, #tpu.memory_space<semaphore_mem>>
        %dma_start3A = tpu.memref_slice %arg3[%add3A_411] : memref<14155776xf32, #tpu.memory_space<hbm>> -> memref<8192xf32, #tpu.memory_space<hbm>>
        %dma_start3A_420 = tpu.memref_slice %arg3[%add3A_411] : memref<14155776xf32, #tpu.memory_space<hbm>> -> memref<8192xf32, #tpu.memory_space<hbm>>
        tpu.enqueue_dma source(%dma_start3A_420 : memref<8192xf32, #tpu.memory_space<hbm>>) target(%arg7 : memref<8192xf32, #tpu.memory_space<vmem>>) target_semaphore(%run_scoped3A_419 : memref<!tpu.dma_semaphore, #tpu.memory_space<semaphore_mem>>)
        %dma_wait3A = tpu.memref_slice %arg3[%add3A_411] : memref<14155776xf32, #tpu.memory_space<hbm>> -> memref<8192xf32, #tpu.memory_space<hbm>>
        %dma_wait3A_421 = tpu.memref_slice %arg3[%add3A_411] : memref<14155776xf32, #tpu.memory_space<hbm>> -> memref<8192xf32, #tpu.memory_space<hbm>>
        tpu.wait_dma2 semaphore(%run_scoped3A_419 : memref<!tpu.dma_semaphore, #tpu.memory_space<semaphore_mem>>) src(%dma_wait3A_421 : memref<8192xf32, #tpu.memory_space<hbm>>) dst(%arg7 : memref<8192xf32, #tpu.memory_space<vmem>>)
        tpu.yield
      }) : () -> ()
      %scan3A_412 = arith.constant 0 : i32
      %scan3A_413 = arith.constant 0 : i32
      %scan3A_414 = arith.constant 512 : i32
      %scan3A_415 = arith.addi %scan3A_413, %scan3A_414 : i32
      %scan3A_416 = arith.constant 1 : i32
      %scan3A_417 = scf.for %scan3A_419 = %scan3A_413 to %scan3A_415 step %scan3A_416 iter_args(%scan3A_420 = %scan3A_412) -> (i32)  : i32 {
        %mul3A_421 = arith.constant 16 : i32
        %mul3A_422 = arith.muli %scan3A_419, %mul3A_421 : i32
        %get3A = arith.index_cast %mul3A_422 : i32 to index
        %get3A_423 = tpu.vector_load %arg7[%get3A] {strides = array<i32>} : memref<8192xf32, #tpu.memory_space<vmem>>, vector<16xf32>,
        %sub3A_424 = arith.subf %get3A_423, %broadcast_in_dim3A_241 : vector<16xf32>
        %mul3A_425 = arith.mulf %sub3A_424, %div3A_248 : vector<16xf32>
        %convert_element_type3A = arith.fptosi %mul3A_425 : vector<16xf32> to vector<16xi32>
        %jit3A = arith.constant 0 : i32
        %jit3A_426 = arith.constant 255 : i32
        %max3A_427 = vector.broadcast %jit3A : i32 to vector<16xi32>
        %max3A_428 = arith.maxsi %max3A_427, %convert_element_type3A : vector<16xi32>
        %min3A_429 = vector.broadcast %jit3A_426 : i32 to vector<16xi32>
        %min3A_430 = arith.minsi %min3A_429, %max3A_428 : vector<16xi32>
        %add3A_431 = arith.addi %mul3A_3, %min3A_430 : vector<16xi32>
        tpu.vector_store_idx %arg8[%add3A_431], %broadcast_in_dim3A_4 {add = true} : memref<4096xf32, #tpu.memory_space<vmem>>[vector<16xi32>], vector<16xf32>,
        %scan3A_432 = arith.constant 0 : i32
        scf.yield %scan3A_432 : i32
      }
      %scan3A_418 = arith.constant 512 : i32
      scf.yield %scan3A_417 : i32
    }
    %scan3A_262 = arith.constant 54 : i32
    %scan3A_263 = arith.constant 0 : i32
    %scan3A_264 = arith.constant 0 : i32
    %scan3A_265 = arith.constant 16 : i32
    %scan3A_266 = arith.addi %scan3A_264, %scan3A_265 : i32
    %scan3A_267 = arith.constant 1 : i32
    %scan3A_268 = scf.for %scan3A_407 = %scan3A_264 to %scan3A_266 step %scan3A_267 iter_args(%scan3A_408 = %scan3A_263) -> (i32)  : i32 {
      %scan3A_409 = arith.constant 0 : i32
      %scan3A_410 = arith.constant 16 : i32
      %scan3A_411 = arith.addi %scan3A_409, %scan3A_410 : i32
      %scan3A_412 = arith.constant 1 : i32
      %scan3A_413 = scf.for %scan3A_419 = %scan3A_409 to %scan3A_411 step %scan3A_412 iter_args(%scan3A_420 = %broadcast_in_dim3A_6) -> (vector<16xf32>)  : i32 {
        %mul3A_421 = arith.constant 256 : i32
        %mul3A_422 = arith.muli %scan3A_419, %mul3A_421 : i32
        %mul3A_423 = arith.constant 16 : i32
        %mul3A_424 = arith.muli %scan3A_407, %mul3A_423 : i32
        %add3A_425 = arith.addi %mul3A_422, %mul3A_424 : i32
        %get3A = arith.index_cast %add3A_425 : i32 to index
        %get3A_426 = tpu.vector_load %arg8[%get3A] {strides = array<i32>} : memref<4096xf32, #tpu.memory_space<vmem>>, vector<16xf32>,
        %add3A_427 = arith.addf %scan3A_420, %get3A_426 : vector<16xf32>
        scf.yield %add3A_427 : vector<16xf32>
      }
      %scan3A_414 = arith.constant 16 : i32
      %mul3A_415 = arith.constant 16 : i32
      %mul3A_416 = arith.muli %scan3A_407, %mul3A_415 : i32
      %swap3A = arith.index_cast %mul3A_416 : i32 to index
      %swap3A_417 = tpu.vector_load %arg10[%swap3A] {strides = array<i32>} : memref<256xf32, #tpu.memory_space<vmem>>, vector<16xf32>,
      tpu.vector_store %arg10[%swap3A], %scan3A_413 {strides = array<i32>} : memref<256xf32, #tpu.memory_space<vmem>>, vector<16xf32>,
      %scan3A_418 = arith.constant 0 : i32
      scf.yield %scan3A_418 : i32
    }
    %scan3A_269 = arith.constant 16 : i32
    %run_scoped3A_270 = arith.constant 1 : i32
    "tpu.region"() ({
      %run_scoped3A_407 = tpu.sem_alloc : memref<!tpu.dma_semaphore, #tpu.memory_space<semaphore_mem>>
      %dma_start3A = arith.constant 0 : i32
      %dma_start3A_408 = tpu.memref_slice %arg6[%run_scoped3A_270, %add3A, %dma_start3A] : memref<3x32x256xf32, #tpu.memory_space<hbm>> -> memref<1x1x256xf32, #tpu.memory_space<hbm>>
      %dma_start3A_409 = tpu.memref_squeeze %dma_start3A_408 : memref<1x1x256xf32, #tpu.memory_space<hbm>> -> memref<256xf32, #tpu.memory_space<hbm>>
      %dma_start3A_410 = arith.constant 0 : i32
      %dma_start3A_411 = tpu.memref_slice %arg6[%run_scoped3A_270, %add3A, %dma_start3A_410] : memref<3x32x256xf32, #tpu.memory_space<hbm>> -> memref<1x1x256xf32, #tpu.memory_space<hbm>>
      %dma_start3A_412 = tpu.memref_squeeze %dma_start3A_411 : memref<1x1x256xf32, #tpu.memory_space<hbm>> -> memref<256xf32, #tpu.memory_space<hbm>>
      tpu.enqueue_dma source(%arg10 : memref<256xf32, #tpu.memory_space<vmem>>) target(%dma_start3A_412 : memref<256xf32, #tpu.memory_space<hbm>>) target_semaphore(%run_scoped3A_407 : memref<!tpu.dma_semaphore, #tpu.memory_space<semaphore_mem>>)
      %dma_wait3A = arith.constant 0 : i32
      %dma_wait3A_413 = tpu.memref_slice %arg6[%run_scoped3A_270, %add3A, %dma_wait3A] : memref<3x32x256xf32, #tpu.memory_space<hbm>> -> memref<1x1x256xf32, #tpu.memory_space<hbm>>
      %dma_wait3A_414 = tpu.memref_squeeze %dma_wait3A_413 : memref<1x1x256xf32, #tpu.memory_space<hbm>> -> memref<256xf32, #tpu.memory_space<hbm>>
      %dma_wait3A_415 = arith.constant 0 : i32
      %dma_wait3A_416 = tpu.memref_slice %arg6[%run_scoped3A_270, %add3A, %dma_wait3A_415] : memref<3x32x256xf32, #tpu.memory_space<hbm>> -> memref<1x1x256xf32, #tpu.memory_space<hbm>>
      %dma_wait3A_417 = tpu.memref_squeeze %dma_wait3A_416 : memref<1x1x256xf32, #tpu.memory_space<hbm>> -> memref<256xf32, #tpu.memory_space<hbm>>
      tpu.wait_dma2 semaphore(%run_scoped3A_407 : memref<!tpu.dma_semaphore, #tpu.memory_space<semaphore_mem>>) src(%arg10 : memref<256xf32, #tpu.memory_space<vmem>>) dst(%dma_wait3A_417 : memref<256xf32, #tpu.memory_space<hbm>>)
      tpu.yield
    }) : () -> ()
    %mul3A_271 = arith.constant 884736 : i32
    %mul3A_272 = arith.muli %add3A, %mul3A_271 : i32
    %broadcast_in_dim3A_273 = arith.constant 0x7F800000 : f32
    %broadcast_in_dim3A_274 = vector.broadcast %broadcast_in_dim3A_273 : f32 to vector<16xf32>
    %broadcast_in_dim3A_275 = arith.constant 0xFF800000 : f32
    %broadcast_in_dim3A_276 = vector.broadcast %broadcast_in_dim3A_275 : f32 to vector<16xf32>
    %scan3A_277 = arith.constant 0 : i32
    %scan3A_278 = arith.constant 32 : i32
    %scan3A_279 = arith.addi %scan3A_277, %scan3A_278 : i32
    %scan3A_280 = arith.constant 1 : i32
    %scan3A_281:2 = scf.for %scan3A_407 = %scan3A_277 to %scan3A_279 step %scan3A_280 iter_args(%scan3A_408 = %broadcast_in_dim3A_274, %scan3A_409 = %broadcast_in_dim3A_276) -> (vector<16xf32>, vector<16xf32>)  : i32 {
      %add3A_410 = arith.constant 64 : i32
      %add3A_411 = arith.addi %add3A_410, %scan3A_407 : i32
      %mul3A_412 = arith.constant 3 : i32
      %mul3A_413 = arith.muli %add3A_411, %mul3A_412 : i32
      %mul3A_414 = arith.constant 16 : i32
      %mul3A_415 = arith.muli %mul3A_413, %mul3A_414 : i32
      %get3A = arith.index_cast %mul3A_415 : i32 to index
      %get3A_416 = tpu.vector_load %arg9[%get3A] {strides = array<i32>} : memref<4608xf32, #tpu.memory_space<vmem>>, vector<16xf32>,
      %min3A_417 = arith.minimumf %scan3A_408, %get3A_416 : vector<16xf32>
      %add3A_418 = arith.constant 16 : i32
      %add3A_419 = arith.addi %mul3A_415, %add3A_418 : i32
      %get3A_420 = arith.index_cast %add3A_419 : i32 to index
      %get3A_421 = tpu.vector_load %arg9[%get3A_420] {strides = array<i32>} : memref<4608xf32, #tpu.memory_space<vmem>>, vector<16xf32>,
      %max3A_422 = arith.maximumf %scan3A_409, %get3A_421 : vector<16xf32>
      scf.yield %min3A_417, %max3A_422 : vector<16xf32>, vector<16xf32>
    }
    %scan3A_282 = arith.constant 32 : i32
    %slice3A_283 = vector.extract_strided_slice %scan3A_281#0 {offsets = [0], sizes = [1], strides = [1]} : vector<16xf32> to vector<1xf32>
    %squeeze3A_284 = vector.extract %slice3A_283[0] : f32 from vector<1xf32>
    %slice3A_285 = vector.extract_strided_slice %scan3A_281#1 {offsets = [0], sizes = [1], strides = [1]} : vector<16xf32> to vector<1xf32>
    %squeeze3A_286 = vector.extract %slice3A_285[0] : f32 from vector<1xf32>
    %slice3A_287 = vector.extract_strided_slice %scan3A_281#0 {offsets = [1], sizes = [1], strides = [1]} : vector<16xf32> to vector<1xf32>
    %squeeze3A_288 = vector.extract %slice3A_287[0] : f32 from vector<1xf32>
    %min3A_289 = arith.minimumf %squeeze3A_284, %squeeze3A_288 : f32
    %slice3A_290 = vector.extract_strided_slice %scan3A_281#1 {offsets = [1], sizes = [1], strides = [1]} : vector<16xf32> to vector<1xf32>
    %squeeze3A_291 = vector.extract %slice3A_290[0] : f32 from vector<1xf32>
    %max3A_292 = arith.maximumf %squeeze3A_286, %squeeze3A_291 : f32
    %slice3A_293 = vector.extract_strided_slice %scan3A_281#0 {offsets = [2], sizes = [1], strides = [1]} : vector<16xf32> to vector<1xf32>
    %squeeze3A_294 = vector.extract %slice3A_293[0] : f32 from vector<1xf32>
    %min3A_295 = arith.minimumf %min3A_289, %squeeze3A_294 : f32
    %slice3A_296 = vector.extract_strided_slice %scan3A_281#1 {offsets = [2], sizes = [1], strides = [1]} : vector<16xf32> to vector<1xf32>
    %squeeze3A_297 = vector.extract %slice3A_296[0] : f32 from vector<1xf32>
    %max3A_298 = arith.maximumf %max3A_292, %squeeze3A_297 : f32
    %slice3A_299 = vector.extract_strided_slice %scan3A_281#0 {offsets = [3], sizes = [1], strides = [1]} : vector<16xf32> to vector<1xf32>
    %squeeze3A_300 = vector.extract %slice3A_299[0] : f32 from vector<1xf32>
    %min3A_301 = arith.minimumf %min3A_295, %squeeze3A_300 : f32
    %slice3A_302 = vector.extract_strided_slice %scan3A_281#1 {offsets = [3], sizes = [1], strides = [1]} : vector<16xf32> to vector<1xf32>
    %squeeze3A_303 = vector.extract %slice3A_302[0] : f32 from vector<1xf32>
    %max3A_304 = arith.maximumf %max3A_298, %squeeze3A_303 : f32
    %slice3A_305 = vector.extract_strided_slice %scan3A_281#0 {offsets = [4], sizes = [1], strides = [1]} : vector<16xf32> to vector<1xf32>
    %squeeze3A_306 = vector.extract %slice3A_305[0] : f32 from vector<1xf32>
    %min3A_307 = arith.minimumf %min3A_301, %squeeze3A_306 : f32
    %slice3A_308 = vector.extract_strided_slice %scan3A_281#1 {offsets = [4], sizes = [1], strides = [1]} : vector<16xf32> to vector<1xf32>
    %squeeze3A_309 = vector.extract %slice3A_308[0] : f32 from vector<1xf32>
    %max3A_310 = arith.maximumf %max3A_304, %squeeze3A_309 : f32
    %slice3A_311 = vector.extract_strided_slice %scan3A_281#0 {offsets = [5], sizes = [1], strides = [1]} : vector<16xf32> to vector<1xf32>
    %squeeze3A_312 = vector.extract %slice3A_311[0] : f32 from vector<1xf32>
    %min3A_313 = arith.minimumf %min3A_307, %squeeze3A_312 : f32
    %slice3A_314 = vector.extract_strided_slice %scan3A_281#1 {offsets = [5], sizes = [1], strides = [1]} : vector<16xf32> to vector<1xf32>
    %squeeze3A_315 = vector.extract %slice3A_314[0] : f32 from vector<1xf32>
    %max3A_316 = arith.maximumf %max3A_310, %squeeze3A_315 : f32
    %slice3A_317 = vector.extract_strided_slice %scan3A_281#0 {offsets = [6], sizes = [1], strides = [1]} : vector<16xf32> to vector<1xf32>
    %squeeze3A_318 = vector.extract %slice3A_317[0] : f32 from vector<1xf32>
    %min3A_319 = arith.minimumf %min3A_313, %squeeze3A_318 : f32
    %slice3A_320 = vector.extract_strided_slice %scan3A_281#1 {offsets = [6], sizes = [1], strides = [1]} : vector<16xf32> to vector<1xf32>
    %squeeze3A_321 = vector.extract %slice3A_320[0] : f32 from vector<1xf32>
    %max3A_322 = arith.maximumf %max3A_316, %squeeze3A_321 : f32
    %slice3A_323 = vector.extract_strided_slice %scan3A_281#0 {offsets = [7], sizes = [1], strides = [1]} : vector<16xf32> to vector<1xf32>
    %squeeze3A_324 = vector.extract %slice3A_323[0] : f32 from vector<1xf32>
    %min3A_325 = arith.minimumf %min3A_319, %squeeze3A_324 : f32
    %slice3A_326 = vector.extract_strided_slice %scan3A_281#1 {offsets = [7], sizes = [1], strides = [1]} : vector<16xf32> to vector<1xf32>
    %squeeze3A_327 = vector.extract %slice3A_326[0] : f32 from vector<1xf32>
    %max3A_328 = arith.maximumf %max3A_322, %squeeze3A_327 : f32
    %slice3A_329 = vector.extract_strided_slice %scan3A_281#0 {offsets = [8], sizes = [1], strides = [1]} : vector<16xf32> to vector<1xf32>
    %squeeze3A_330 = vector.extract %slice3A_329[0] : f32 from vector<1xf32>
    %min3A_331 = arith.minimumf %min3A_325, %squeeze3A_330 : f32
    %slice3A_332 = vector.extract_strided_slice %scan3A_281#1 {offsets = [8], sizes = [1], strides = [1]} : vector<16xf32> to vector<1xf32>
    %squeeze3A_333 = vector.extract %slice3A_332[0] : f32 from vector<1xf32>
    %max3A_334 = arith.maximumf %max3A_328, %squeeze3A_333 : f32
    %slice3A_335 = vector.extract_strided_slice %scan3A_281#0 {offsets = [9], sizes = [1], strides = [1]} : vector<16xf32> to vector<1xf32>
    %squeeze3A_336 = vector.extract %slice3A_335[0] : f32 from vector<1xf32>
    %min3A_337 = arith.minimumf %min3A_331, %squeeze3A_336 : f32
    %slice3A_338 = vector.extract_strided_slice %scan3A_281#1 {offsets = [9], sizes = [1], strides = [1]} : vector<16xf32> to vector<1xf32>
    %squeeze3A_339 = vector.extract %slice3A_338[0] : f32 from vector<1xf32>
    %max3A_340 = arith.maximumf %max3A_334, %squeeze3A_339 : f32
    %slice3A_341 = vector.extract_strided_slice %scan3A_281#0 {offsets = [10], sizes = [1], strides = [1]} : vector<16xf32> to vector<1xf32>
    %squeeze3A_342 = vector.extract %slice3A_341[0] : f32 from vector<1xf32>
    %min3A_343 = arith.minimumf %min3A_337, %squeeze3A_342 : f32
    %slice3A_344 = vector.extract_strided_slice %scan3A_281#1 {offsets = [10], sizes = [1], strides = [1]} : vector<16xf32> to vector<1xf32>
    %squeeze3A_345 = vector.extract %slice3A_344[0] : f32 from vector<1xf32>
    %max3A_346 = arith.maximumf %max3A_340, %squeeze3A_345 : f32
    %slice3A_347 = vector.extract_strided_slice %scan3A_281#0 {offsets = [11], sizes = [1], strides = [1]} : vector<16xf32> to vector<1xf32>
    %squeeze3A_348 = vector.extract %slice3A_347[0] : f32 from vector<1xf32>
    %min3A_349 = arith.minimumf %min3A_343, %squeeze3A_348 : f32
    %slice3A_350 = vector.extract_strided_slice %scan3A_281#1 {offsets = [11], sizes = [1], strides = [1]} : vector<16xf32> to vector<1xf32>
    %squeeze3A_351 = vector.extract %slice3A_350[0] : f32 from vector<1xf32>
    %max3A_352 = arith.maximumf %max3A_346, %squeeze3A_351 : f32
    %slice3A_353 = vector.extract_strided_slice %scan3A_281#0 {offsets = [12], sizes = [1], strides = [1]} : vector<16xf32> to vector<1xf32>
    %squeeze3A_354 = vector.extract %slice3A_353[0] : f32 from vector<1xf32>
    %min3A_355 = arith.minimumf %min3A_349, %squeeze3A_354 : f32
    %slice3A_356 = vector.extract_strided_slice %scan3A_281#1 {offsets = [12], sizes = [1], strides = [1]} : vector<16xf32> to vector<1xf32>
    %squeeze3A_357 = vector.extract %slice3A_356[0] : f32 from vector<1xf32>
    %max3A_358 = arith.maximumf %max3A_352, %squeeze3A_357 : f32
    %slice3A_359 = vector.extract_strided_slice %scan3A_281#0 {offsets = [13], sizes = [1], strides = [1]} : vector<16xf32> to vector<1xf32>
    %squeeze3A_360 = vector.extract %slice3A_359[0] : f32 from vector<1xf32>
    %min3A_361 = arith.minimumf %min3A_355, %squeeze3A_360 : f32
    %slice3A_362 = vector.extract_strided_slice %scan3A_281#1 {offsets = [13], sizes = [1], strides = [1]} : vector<16xf32> to vector<1xf32>
    %squeeze3A_363 = vector.extract %slice3A_362[0] : f32 from vector<1xf32>
    %max3A_364 = arith.maximumf %max3A_358, %squeeze3A_363 : f32
    %slice3A_365 = vector.extract_strided_slice %scan3A_281#0 {offsets = [14], sizes = [1], strides = [1]} : vector<16xf32> to vector<1xf32>
    %squeeze3A_366 = vector.extract %slice3A_365[0] : f32 from vector<1xf32>
    %min3A_367 = arith.minimumf %min3A_361, %squeeze3A_366 : f32
    %slice3A_368 = vector.extract_strided_slice %scan3A_281#1 {offsets = [14], sizes = [1], strides = [1]} : vector<16xf32> to vector<1xf32>
    %squeeze3A_369 = vector.extract %slice3A_368[0] : f32 from vector<1xf32>
    %max3A_370 = arith.maximumf %max3A_364, %squeeze3A_369 : f32
    %slice3A_371 = vector.extract_strided_slice %scan3A_281#0 {offsets = [15], sizes = [1], strides = [1]} : vector<16xf32> to vector<1xf32>
    %squeeze3A_372 = vector.extract %slice3A_371[0] : f32 from vector<1xf32>
    %min3A_373 = arith.minimumf %min3A_367, %squeeze3A_372 : f32
    %slice3A_374 = vector.extract_strided_slice %scan3A_281#1 {offsets = [15], sizes = [1], strides = [1]} : vector<16xf32> to vector<1xf32>
    %squeeze3A_375 = vector.extract %slice3A_374[0] : f32 from vector<1xf32>
    %max3A_376 = arith.maximumf %max3A_370, %squeeze3A_375 : f32
    %broadcast_in_dim3A_377 = vector.broadcast %min3A_373 : f32 to vector<16xf32>
    %sub3A_378 = arith.subf %max3A_376, %min3A_373 : f32
    %add3A_379 = arith.constant 9.99999993E-9 : f32
    %add3A_380 = arith.addf %sub3A_378, %add3A_379 : f32
    %broadcast_in_dim3A_381 = vector.broadcast %add3A_380 : f32 to vector<16xf32>
    %div3A_382 = arith.constant 2.560000e+02 : f32
    %div3A_383 = vector.broadcast %div3A_382 : f32 to vector<16xf32>
    %div3A_384 = arith.divf %div3A_383, %broadcast_in_dim3A_381 : vector<16xf32>
    %scan3A_385 = arith.constant 0 : i32
    %scan3A_386 = arith.constant 0 : i32
    %scan3A_387 = arith.constant 256 : i32
    %scan3A_388 = arith.addi %scan3A_386, %scan3A_387 : i32
    %scan3A_389 = arith.constant 1 : i32
    %scan3A_390 = scf.for %scan3A_407 = %scan3A_386 to %scan3A_388 step %scan3A_389 iter_args(%scan3A_408 = %scan3A_385) -> (i32)  : i32 {
      %mul3A_409 = arith.constant 16 : i32
      %mul3A_410 = arith.muli %scan3A_407, %mul3A_409 : i32
      %swap3A = arith.index_cast %mul3A_410 : i32 to index
      %swap3A_411 = tpu.vector_load %arg8[%swap3A] {strides = array<i32>} : memref<4096xf32, #tpu.memory_space<vmem>>, vector<16xf32>,
      tpu.vector_store %arg8[%swap3A], %broadcast_in_dim3A_6 {strides = array<i32>} : memref<4096xf32, #tpu.memory_space<vmem>>, vector<16xf32>,
      %scan3A_412 = arith.constant 0 : i32
      scf.yield %scan3A_412 : i32
    }
    %scan3A_391 = arith.constant 256 : i32
    %scan3A_392 = arith.constant 0 : i32
    %scan3A_393 = arith.constant 0 : i32
    %scan3A_394 = arith.constant 108 : i32
    %scan3A_395 = arith.addi %scan3A_393, %scan3A_394 : i32
    %scan3A_396 = arith.constant 1 : i32
    %scan3A_397 = scf.for %scan3A_407 = %scan3A_393 to %scan3A_395 step %scan3A_396 iter_args(%scan3A_408 = %scan3A_392) -> (i32)  : i32 {
      %mul3A_409 = arith.constant 8192 : i32
      %mul3A_410 = arith.muli %scan3A_407, %mul3A_409 : i32
      %add3A_411 = arith.addi %mul3A_272, %mul3A_410 : i32
      "tpu.region"() ({
        %run_scoped3A_419 = tpu.sem_alloc : memref<!tpu.dma_semaphore, #tpu.memory_space<semaphore_mem>>
        %dma_start3A = tpu.memref_slice %arg4[%add3A_411] : memref<28311552xf32, #tpu.memory_space<hbm>> -> memref<8192xf32, #tpu.memory_space<hbm>>
        %dma_start3A_420 = tpu.memref_slice %arg4[%add3A_411] : memref<28311552xf32, #tpu.memory_space<hbm>> -> memref<8192xf32, #tpu.memory_space<hbm>>
        tpu.enqueue_dma source(%dma_start3A_420 : memref<8192xf32, #tpu.memory_space<hbm>>) target(%arg7 : memref<8192xf32, #tpu.memory_space<vmem>>) target_semaphore(%run_scoped3A_419 : memref<!tpu.dma_semaphore, #tpu.memory_space<semaphore_mem>>)
        %dma_wait3A = tpu.memref_slice %arg4[%add3A_411] : memref<28311552xf32, #tpu.memory_space<hbm>> -> memref<8192xf32, #tpu.memory_space<hbm>>
        %dma_wait3A_421 = tpu.memref_slice %arg4[%add3A_411] : memref<28311552xf32, #tpu.memory_space<hbm>> -> memref<8192xf32, #tpu.memory_space<hbm>>
        tpu.wait_dma2 semaphore(%run_scoped3A_419 : memref<!tpu.dma_semaphore, #tpu.memory_space<semaphore_mem>>) src(%dma_wait3A_421 : memref<8192xf32, #tpu.memory_space<hbm>>) dst(%arg7 : memref<8192xf32, #tpu.memory_space<vmem>>)
        tpu.yield
      }) : () -> ()
      %scan3A_412 = arith.constant 0 : i32
      %scan3A_413 = arith.constant 0 : i32
      %scan3A_414 = arith.constant 512 : i32
      %scan3A_415 = arith.addi %scan3A_413, %scan3A_414 : i32
      %scan3A_416 = arith.constant 1 : i32
      %scan3A_417 = scf.for %scan3A_419 = %scan3A_413 to %scan3A_415 step %scan3A_416 iter_args(%scan3A_420 = %scan3A_412) -> (i32)  : i32 {
        %mul3A_421 = arith.constant 16 : i32
        %mul3A_422 = arith.muli %scan3A_419, %mul3A_421 : i32
        %get3A = arith.index_cast %mul3A_422 : i32 to index
        %get3A_423 = tpu.vector_load %arg7[%get3A] {strides = array<i32>} : memref<8192xf32, #tpu.memory_space<vmem>>, vector<16xf32>,
        %sub3A_424 = arith.subf %get3A_423, %broadcast_in_dim3A_377 : vector<16xf32>
        %mul3A_425 = arith.mulf %sub3A_424, %div3A_384 : vector<16xf32>
        %convert_element_type3A = arith.fptosi %mul3A_425 : vector<16xf32> to vector<16xi32>
        %jit3A = arith.constant 0 : i32
        %jit3A_426 = arith.constant 255 : i32
        %max3A_427 = vector.broadcast %jit3A : i32 to vector<16xi32>
        %max3A_428 = arith.maxsi %max3A_427, %convert_element_type3A : vector<16xi32>
        %min3A_429 = vector.broadcast %jit3A_426 : i32 to vector<16xi32>
        %min3A_430 = arith.minsi %min3A_429, %max3A_428 : vector<16xi32>
        %add3A_431 = arith.addi %mul3A_3, %min3A_430 : vector<16xi32>
        tpu.vector_store_idx %arg8[%add3A_431], %broadcast_in_dim3A_4 {add = true} : memref<4096xf32, #tpu.memory_space<vmem>>[vector<16xi32>], vector<16xf32>,
        %scan3A_432 = arith.constant 0 : i32
        scf.yield %scan3A_432 : i32
      }
      %scan3A_418 = arith.constant 512 : i32
      scf.yield %scan3A_417 : i32
    }
    %scan3A_398 = arith.constant 108 : i32
    %scan3A_399 = arith.constant 0 : i32
    %scan3A_400 = arith.constant 0 : i32
    %scan3A_401 = arith.constant 16 : i32
    %scan3A_402 = arith.addi %scan3A_400, %scan3A_401 : i32
    %scan3A_403 = arith.constant 1 : i32
    %scan3A_404 = scf.for %scan3A_407 = %scan3A_400 to %scan3A_402 step %scan3A_403 iter_args(%scan3A_408 = %scan3A_399) -> (i32)  : i32 {
      %scan3A_409 = arith.constant 0 : i32
      %scan3A_410 = arith.constant 16 : i32
      %scan3A_411 = arith.addi %scan3A_409, %scan3A_410 : i32
      %scan3A_412 = arith.constant 1 : i32
      %scan3A_413 = scf.for %scan3A_419 = %scan3A_409 to %scan3A_411 step %scan3A_412 iter_args(%scan3A_420 = %broadcast_in_dim3A_6) -> (vector<16xf32>)  : i32 {
        %mul3A_421 = arith.constant 256 : i32
        %mul3A_422 = arith.muli %scan3A_419, %mul3A_421 : i32
        %mul3A_423 = arith.constant 16 : i32
        %mul3A_424 = arith.muli %scan3A_407, %mul3A_423 : i32
        %add3A_425 = arith.addi %mul3A_422, %mul3A_424 : i32
        %get3A = arith.index_cast %add3A_425 : i32 to index
        %get3A_426 = tpu.vector_load %arg8[%get3A] {strides = array<i32>} : memref<4096xf32, #tpu.memory_space<vmem>>, vector<16xf32>,
        %add3A_427 = arith.addf %scan3A_420, %get3A_426 : vector<16xf32>
        scf.yield %add3A_427 : vector<16xf32>
      }
      %scan3A_414 = arith.constant 16 : i32
      %mul3A_415 = arith.constant 16 : i32
      %mul3A_416 = arith.muli %scan3A_407, %mul3A_415 : i32
      %swap3A = arith.index_cast %mul3A_416 : i32 to index
      %swap3A_417 = tpu.vector_load %arg10[%swap3A] {strides = array<i32>} : memref<256xf32, #tpu.memory_space<vmem>>, vector<16xf32>,
      tpu.vector_store %arg10[%swap3A], %scan3A_413 {strides = array<i32>} : memref<256xf32, #tpu.memory_space<vmem>>, vector<16xf32>,
      %scan3A_418 = arith.constant 0 : i32
      scf.yield %scan3A_418 : i32
    }
    %scan3A_405 = arith.constant 16 : i32
    %run_scoped3A_406 = arith.constant 2 : i32
    "tpu.region"() ({
      %run_scoped3A_407 = tpu.sem_alloc : memref<!tpu.dma_semaphore, #tpu.memory_space<semaphore_mem>>
      %dma_start3A = arith.constant 0 : i32
      %dma_start3A_408 = tpu.memref_slice %arg6[%run_scoped3A_406, %add3A, %dma_start3A] : memref<3x32x256xf32, #tpu.memory_space<hbm>> -> memref<1x1x256xf32, #tpu.memory_space<hbm>>
      %dma_start3A_409 = tpu.memref_squeeze %dma_start3A_408 : memref<1x1x256xf32, #tpu.memory_space<hbm>> -> memref<256xf32, #tpu.memory_space<hbm>>
      %dma_start3A_410 = arith.constant 0 : i32
      %dma_start3A_411 = tpu.memref_slice %arg6[%run_scoped3A_406, %add3A, %dma_start3A_410] : memref<3x32x256xf32, #tpu.memory_space<hbm>> -> memref<1x1x256xf32, #tpu.memory_space<hbm>>
      %dma_start3A_412 = tpu.memref_squeeze %dma_start3A_411 : memref<1x1x256xf32, #tpu.memory_space<hbm>> -> memref<256xf32, #tpu.memory_space<hbm>>
      tpu.enqueue_dma source(%arg10 : memref<256xf32, #tpu.memory_space<vmem>>) target(%dma_start3A_412 : memref<256xf32, #tpu.memory_space<hbm>>) target_semaphore(%run_scoped3A_407 : memref<!tpu.dma_semaphore, #tpu.memory_space<semaphore_mem>>)
      %dma_wait3A = arith.constant 0 : i32
      %dma_wait3A_413 = tpu.memref_slice %arg6[%run_scoped3A_406, %add3A, %dma_wait3A] : memref<3x32x256xf32, #tpu.memory_space<hbm>> -> memref<1x1x256xf32, #tpu.memory_space<hbm>>
      %dma_wait3A_414 = tpu.memref_squeeze %dma_wait3A_413 : memref<1x1x256xf32, #tpu.memory_space<hbm>> -> memref<256xf32, #tpu.memory_space<hbm>>
      %dma_wait3A_415 = arith.constant 0 : i32
      %dma_wait3A_416 = tpu.memref_slice %arg6[%run_scoped3A_406, %add3A, %dma_wait3A_415] : memref<3x32x256xf32, #tpu.memory_space<hbm>> -> memref<1x1x256xf32, #tpu.memory_space<hbm>>
      %dma_wait3A_417 = tpu.memref_squeeze %dma_wait3A_416 : memref<1x1x256xf32, #tpu.memory_space<hbm>> -> memref<256xf32, #tpu.memory_space<hbm>>
      tpu.wait_dma2 semaphore(%run_scoped3A_407 : memref<!tpu.dma_semaphore, #tpu.memory_space<semaphore_mem>>) src(%arg10 : memref<256xf32, #tpu.memory_space<vmem>>) dst(%dma_wait3A_417 : memref<256xf32, #tpu.memory_space<hbm>>)
      tpu.yield
    }) : () -> ()
    return
  }
}

module attributes {stable_mosaic.version = 14 : i64} {
  func.func @_finalize_body(%arg0: memref<3x32x48xf32, #tpu.memory_space<vmem>>, %arg1: memref<3x32x256xf32, #tpu.memory_space<vmem>>, %arg2: memref<1x1xf32, #tpu.memory_space<vmem>>) attributes {dimension_semantics = [], scalar_prefetch = 0 : i64, scratch_operands = 0 : i64, tpu.core_type = #tpu.core_type<tc>} {
    %get3A = arith.constant 0 : index
    %get3A_0 = arith.constant 0 : index
    %get3A_1 = arith.constant 0 : index
    %get3A_2 = vector.load %arg0[%get3A, %get3A_0, %get3A_1] : memref<3x32x48xf32, #tpu.memory_space<vmem>>, vector<3x32x48xf32>
    %get3A_3 = arith.constant 0 : index
    %get3A_4 = arith.constant 0 : index
    %get3A_5 = arith.constant 0 : index
    %get3A_6 = vector.load %arg1[%get3A_3, %get3A_4, %get3A_5] : memref<3x32x256xf32, #tpu.memory_space<vmem>>, vector<3x32x256xf32>
    %reduce_sum3A = arith.constant dense<0.000000e+00> : vector<3x256xf32>
    %reduce_sum3A_7 = vector.multi_reduction <add>, %get3A_6, %reduce_sum3A [1] : vector<3x32x256xf32> to vector<3x256xf32>
    %reduce_sum3A_8 = arith.constant dense<0.000000e+00> : vector<3xf32>
    %reduce_sum3A_9 = vector.multi_reduction <add>, %reduce_sum3A_7, %reduce_sum3A_8 [1] : vector<3x256xf32> to vector<3xf32>
    %broadcast_in_dim3A = vector.shape_cast %reduce_sum3A_9 : vector<3xf32> to vector<3x1xf32>
    %div3A = vector.broadcast %broadcast_in_dim3A : vector<3x1xf32> to vector<3x256xf32>
    %div3A_10 = arith.divf %reduce_sum3A_7, %div3A : vector<3x256xf32>
    %add3A = arith.constant 9.99999993E-9 : f32
    %add3A_11 = vector.broadcast %add3A : f32 to vector<3x256xf32>
    %add3A_12 = arith.addf %div3A_10, %add3A_11 : vector<3x256xf32>
    %log3A = math.log %add3A_12 : vector<3x256xf32>
    %log3A_13 = arith.constant 2.000000e+00 : f32
    %log3A_14 = math.log %log3A_13 : f32
    %div3A_15 = vector.broadcast %log3A_14 : f32 to vector<3x256xf32>
    %div3A_16 = arith.divf %log3A, %div3A_15 : vector<3x256xf32>
    %mul3A = arith.mulf %div3A_10, %div3A_16 : vector<3x256xf32>
    %reduce_sum3A_17 = arith.constant dense<0.000000e+00> : vector<3xf32>
    %reduce_sum3A_18 = vector.multi_reduction <add>, %mul3A, %reduce_sum3A_17 [1] : vector<3x256xf32> to vector<3xf32>
    %neg3A = arith.constant 0.000000e+00 : f32
    %neg3A_19 = vector.broadcast %neg3A : f32 to vector<3xf32>
    %neg3A_20 = arith.subf %neg3A_19, %reduce_sum3A_18 : vector<3xf32>
    %slice3A = vector.extract_strided_slice %get3A_2 {offsets = [0, 0, 32], sizes = [3, 32, 16], strides = [1, 1, 1]} : vector<3x32x48xf32> to vector<3x32x16xf32>
    %reduce_sum3A_21 = arith.constant dense<0.000000e+00> : vector<3xf32>
    %reduce_sum3A_22 = vector.multi_reduction <add>, %slice3A, %reduce_sum3A_21 [1, 2] : vector<3x32x16xf32> to vector<3xf32>
    %slice3A_23 = vector.extract_strided_slice %reduce_sum3A_22 {offsets = [0], sizes = [1], strides = [1]} : vector<3xf32> to vector<1xf32>
    %squeeze3A = vector.extract %slice3A_23[0] : f32 from vector<1xf32>
    %div3A_24 = arith.constant 0x4AD80000 : f32
    %div3A_25 = arith.divf %squeeze3A, %div3A_24 : f32
    %slice3A_26 = vector.extract_strided_slice %reduce_sum3A_22 {offsets = [1], sizes = [1], strides = [1]} : vector<3xf32> to vector<1xf32>
    %squeeze3A_27 = vector.extract %slice3A_26[0] : f32 from vector<1xf32>
    %div3A_28 = arith.constant 0x4B580000 : f32
    %div3A_29 = arith.divf %squeeze3A_27, %div3A_28 : f32
    %add3A_30 = arith.addf %div3A_25, %div3A_29 : f32
    %slice3A_31 = vector.extract_strided_slice %reduce_sum3A_22 {offsets = [2], sizes = [1], strides = [1]} : vector<3xf32> to vector<1xf32>
    %squeeze3A_32 = vector.extract %slice3A_31[0] : f32 from vector<1xf32>
    %div3A_33 = arith.constant 0x4BD80000 : f32
    %div3A_34 = arith.divf %squeeze3A_32, %div3A_33 : f32
    %add3A_35 = arith.addf %add3A_30, %div3A_34 : f32
    %div3A_36 = arith.constant 3.000000e+00 : f32
    %div3A_37 = arith.divf %add3A_35, %div3A_36 : f32
    %reduce_sum3A_38 = vector.shape_cast %neg3A_20 : vector<3xf32> to vector<1x3xf32>
    %reduce_sum3A_39 = arith.constant dense<0.000000e+00> : vector<1xf32>
    %reduce_sum3A_40 = vector.multi_reduction <add>, %reduce_sum3A_38, %reduce_sum3A_39 [1] : vector<1x3xf32> to vector<1xf32>
    %reduce_sum3A_41 = vector.shape_cast %reduce_sum3A_40 : vector<1xf32> to vector<1x1xf32>
    %reduce_sum3A_42 = vector.extract %reduce_sum3A_41[0, 0] : f32 from vector<1x1xf32>
    %div3A_43 = arith.constant 3.000000e+00 : f32
    %div3A_44 = arith.divf %reduce_sum3A_42, %div3A_43 : f32
    %mul3A_45 = arith.constant 1.000000e-01 : f32
    %mul3A_46 = arith.mulf %mul3A_45, %div3A_44 : f32
    %add3A_47 = arith.addf %div3A_37, %mul3A_46 : f32
    %reshape3A = vector.broadcast %add3A_47 : f32 to vector<1x1xf32>
    %swap3A = arith.constant 0 : index
    %swap3A_48 = arith.constant 0 : index
    %swap3A_49 = vector.load %arg2[%swap3A, %swap3A_48] : memref<1x1xf32, #tpu.memory_space<vmem>>, vector<1x1xf32>
    tpu.vector_store %arg2[%swap3A, %swap3A_48], %reshape3A {strides = array<i32>} : memref<1x1xf32, #tpu.memory_space<vmem>>, vector<1x1xf32>,
    return
  }
}

</mosaic_0001>

<sc_bundles>
// kernel: kernel.5.cloned.1.call-start
scs
__scs_entry_jumppad:
0x0: {  	(pc) =	sbr.rel $0x88, $3  }
0x1: {  	(tag) =	ssettag $0x0;
	lr =	simm.s32 $0x1  }
0x2: {  	[smem:$0x3F9E] =	sst lr;
	_ =	strace $0xD0000000  }
0x3: {  	_ = 	snop  }
0x4: {  	_ = 	snop  }
0x5: {  	_ = 	snop  }
0x6: {  	_ = 	snop  }
0x7: {  	_ = 	snop  }
__scs_overlays_trampoline_lowered:
0x8: {  	[smem:$0x3FAD] =	sst s0  }
0x9: {  	[smem:$0x3FAE] =	sst s1  }
0xa: {  	[smem:$0x3FAF] =	sst s2  }
0xb: {  	[smem:$0x3FB0] =	sst s3  }
0xc: {  	[smem:$0x3FB1] =	sst s4  }
0xd: {  	[smem:$0x3FB2] =	sst s5  }
0xe: {  	[smem:$0x3FB3] =	sst s6  }
0xf: {  	[smem:$0x3FB4] =	sst s7  }
0x10: {  	[smem:$0x3FB5] =	sst s8  }
0x11: {  	[smem:$0x3FB6] =	sst s9;
	s0 =	simm.s32 @!p0 $0x0  }
0x12: {  	s1 =	sld [smem:$0x3F9C];
	s0 =	simm.s32 @p0 $0x1  }
0x13: {  	[smem:$0x3FB7] =	sst s0;
	s0 =	simm.s32 @!p1 $0x0  }
0x14: {  	s2 =	sld [smem:$0x3F9B];
	s0 =	simm.s32 @p1 $0x1  }
0x15: {  	[smem:$0x3FB8] =	sst s0;
	s0 =	simm.s32 @!p2 $0x0  }
0x16: {  	s3 =	sld [smem:$0x3FDB];
	s0 =	simm.s32 @p2 $0x1  }
0x17: {  	s4 =	simm.s32 $0x1BF5;
	[smem:$0x3FBA] =	sst s0  }
0x18: {  	s0 =	sld [smem:$0x3F9D];
	_ =	swait.ge [sflag:s4], $0x0  }
0x19: {  	s7 =	sld [smem:$0x3F9E]  }
0x1a: {  	s8 =	sadd.s32 $0xFFFFE003, lr  }
0x1b: {  	s9 =	sadd.s32 $0xFFFFFEF7, lr;
	s5 =	simm.s32 $0xFFFFFFFF;
	p2 =	slt.u32 s8, $0xFFFFF086  }
0x1c: {  	p1 =	slt.u32 s9, $0xF7A;
	s5 =	simm.s32 @!p2 $0x0  }
0x1d: {  	s5 =	simm.s32 @p1 $0x1;
	p0 =	seq.s32 s7, s2  }
0x1e: {  	s7 =	smul.u32 @!p0 $0xF7A, s2;
	p2 =	seq.s32 @!p0 s5, $0x0  }
0x1f: {  	s9 =	smul.u32 $0xF7A, s1;
	s8 =	simm.s32 @!p0 $0x1BF5;
	p2 =	por !p2, p0  }
0x20: {  	[sflag:s8] =	ssyncset.s32 @!p0 $0xFFFFF086;
	s6 =	sadd.s32 @!p0 s3, s7;
	s7 =	simm.s32 @!p0 $0x108  }
0x21: {  	s3 =	sadd.s32 s3, s9;
	s6 =	sadd.s32 @!p0 $0x88, s6;
	s7 =	simm.s32 @p2 $0x1082  }
0x22: {  	[simem:s7], [sflag:s8] =	dma.local @!p0 [hbm:s6], $0xF7A  }
0x23: {  	s9 =	sor.u32 $0xD0000000, s2;
	s6 =	simm.s32 $0x108;
	_ =	swait.ge @!p0 [sflag:s8], $0x0  }
0x24: {  	s3 =	sadd.s32 $0x88, s3;
	s6 =	simm.s32 @!p1 $0x1082;
	[sflag:s4] =	ssyncset.s32 $0xFFFFF086  }
0x25: {  	[simem:s6], [sflag:s4] =	dma.local [hbm:s3], $0xF7A  }
0x26: {  	[smem:$0x3F9E] =	sst s1;
	(tag) =	ssettag s2;
	_ =	strace s9  }
0x27: {  	s1 =	sld [smem:$0x3FAE]  }
0x28: {  	s2 =	sld [smem:$0x3FAF]  }
0x29: {  	s4 =	sld [smem:$0x3FB1]  }
0x2a: {  	p0 =	seq.s32 s5, $0x0;
	s5 =	sld [smem:$0x3FB2]  }
0x2b: {  	s6 =	sld [smem:$0x3FB3]  }
0x2c: {  	s7 =	sld [smem:$0x3FB4]  }
0x2d: {  	s3 =	simm.s32 $0x108;
	s8 =	sld [smem:$0x3FB5]  }
0x2e: {  	s3 =	simm.s32 @!p0 $0x1082;
	s9 =	sld [smem:$0x3FB6]  }
0x2f: {  	lr =	sadd.s32 s0, s3;
	s0 =	sld [smem:$0x3FAD]  }
0x30: {  	s3 =	sld [smem:$0x3FB0]  }
0x31: {  	[smem:$0x3FB9] =	sst s10  }
0x32: {  	s10 =	sld [smem:$0x3FB7];
	_ =	sdelay $0x3  }
0x33: {  	p0 =	seq.s32 s10, $0x1;
	s10 =	sld [smem:$0x3FB9];
	_ =	sdelay $0x3  }
0x34: {  	[smem:$0x3FB9] =	sst s10  }
0x35: {  	s10 =	sld [smem:$0x3FB8];
	_ =	sdelay $0x3  }
0x36: {  	p1 =	seq.s32 s10, $0x1;
	s10 =	sld [smem:$0x3FB9];
	_ =	sdelay $0x3  }
0x37: {  	[smem:$0x3FB9] =	sst s10  }
0x38: {  	s10 =	sld [smem:$0x3FBA]  }
0x39: {  	_ = 	snop;
	(pc) =	sbr.ind lr, $3  }
0x3a: {  	_ = 	snop  }
0x3b: {  	_ = 	snop  }
0x3c: {  	p2 =	seq.s32 s10, $0x1;
	s10 =	sld [smem:$0x3FB9]  }
0x3d: {  	_ =	shalt  }
0x3e: {  	_ =	shalt  }
0x3f: {  	_ =	shalt  }
0x40: {  	_ =	shalt  }
0x41: {  	_ =	shalt  }
0x42: {  	_ =	shalt  }
0x43: {  	_ =	shalt  }
0x44: {  	_ =	shalt  }
0x45: {  	_ =	shalt  }
0x46: {  	_ =	shalt  }
0x47: {  	_ =	shalt  }
0x48: {  	_ =	shalt  }
0x49: {  	_ =	shalt  }
0x4a: {  	_ =	shalt  }
0x4b: {  	_ =	shalt  }
0x4c: {  	_ =	shalt  }
0x4d: {  	_ =	shalt  }
0x4e: {  	_ =	shalt  }
0x4f: {  	_ =	shalt  }
0x50: {  	_ =	shalt  }
0x51: {  	_ =	shalt  }
0x52: {  	_ =	shalt  }
0x53: {  	_ =	shalt  }
0x54: {  	_ =	shalt  }
0x55: {  	_ =	shalt  }
0x56: {  	_ =	shalt  }
0x57: {  	_ =	shalt  }
0x58: {  	_ =	shalt  }
0x59: {  	_ =	shalt  }
0x5a: {  	_ =	shalt  }
0x5b: {  	_ =	shalt  }
0x5c: {  	_ =	shalt  }
0x5d: {  	_ =	shalt  }
0x5e: {  	_ =	shalt  }
0x5f: {  	_ =	shalt  }
0x60: {  	_ =	shalt  }
0x61: {  	_ =	shalt  }
0x62: {  	_ =	shalt  }
0x63: {  	_ =	shalt  }
0x64: {  	_ =	shalt  }
0x65: {  	_ =	shalt  }
0x66: {  	_ =	shalt  }
0x67: {  	_ =	shalt  }
0x68: {  	_ =	shalt  }
0x69: {  	_ =	shalt  }
0x6a: {  	_ =	shalt  }
0x6b: {  	_ =	shalt  }
0x6c: {  	_ =	shalt  }
0x6d: {  	_ =	shalt  }
0x6e: {  	_ =	shalt  }
0x6f: {  	_ =	shalt  }
0x70: {  	_ =	shalt  }
0x71: {  	_ =	shalt  }
0x72: {  	_ =	shalt  }
0x73: {  	_ =	shalt  }
0x74: {  	_ =	shalt  }
0x75: {  	_ =	shalt  }
0x76: {  	_ =	shalt  }
0x77: {  	_ =	shalt  }
0x78: {  	_ =	shalt  }
0x79: {  	_ =	shalt  }
0x7a: {  	_ =	shalt  }
0x7b: {  	_ =	shalt  }
0x7c: {  	_ =	shalt  }
0x7d: {  	_ =	shalt  }
0x7e: {  	_ =	shalt  }
0x7f: {  	_ =	shalt  }
0x80: {  	_ =	shalt  }
0x81: {  	_ =	shalt  }
0x82: {  	_ =	shalt  }
0x83: {  	_ =	shalt  }
0x84: {  	_ =	shalt  }
0x85: {  	_ =	shalt  }
0x86: {  	_ =	shalt  }
0x87: {  	_ =	shalt  }
.Lfunc_end0:
.L_simem_size_0:
called_computation_lowered:
.L_overlay_start_0:
0x88: {  	s2 =	sld [smem:$0x3FD9]  }
0x89: {  	s3 =	sld [smem:$0x3FFE];
	_ =	sdelay $0x1  }
0x8a: {  	s1 =	srdreg.scid  }
0x8b: {  	s0 =	sand.u32 $0x1, s1  }
0x8c: {  	s16 =	sshll.u32 s0, $0xA;
	s2 =	sadd.s32 s3, s2  }
0x8d: {  	s2 =	sadd.s32 s2, s16  }
0x8e: {  	[smem:$0x3FC5] =	sst s2  }
0x8f: {  	_ = 	snop  }
0x90: {  	(tm) =	ssettm $0x1  }
0x91: {  	s17 =	sld [smem:$0x3FFB];
	_ =	sdelay $0x3  }
0x92: {  	_ =	strace s17  }
0x93: {  	s2 =	sld [smem:$0x3FFC];
	_ =	sdelay $0x3  }
0x94: {  	_ =	strace s2  }
0x95: {  	s2 =	sld [smem:$0x3FFD];
	_ =	sdelay $0x3  }
0x96: {  	_ =	strace s2  }
0x97: {  	_ =	strace $0x8FFFFFFF  }
0x98: {  	s18 =	sld [smem:$0x3FDB];
	_ =	sdelay $0x1  }
0x99: {  	s19 =	simm.s32 $_scs_section_size  }
0x9a: {  	s4 =	simm.s32 $_size__tile_overlayer_lowered;
	s5 =	simm.s32 $_tile_overlayer_lowered  }
0x9b: {  	s22 =	simm.s32 $0x1BFF;
	s21 =	sshll.u32 s5, $0x1;
	s2 =	sadd.s32 s19, s18  }
0x9c: {  	s6 =	simm.s32 $0x0;
	s20 =	sshll.u32 s4, $0x1;
	s4 =	sadd.s32 s21, s2  }
0x9d: {  	[timem:s6], [sflag:s22] =	dma.local [hbm:s4], s20  }
0x9e: {  	_ =	swait.ge [sflag:s22], s20  }
0x9f: {  	s3 =	ssub.s32 $0x0, s20;
	[sflag:s22] =	ssyncset.done $0x0  }
0xa0: {  	[sflag:s22] =	ssyncadd.s32 s3;
	_ =	sdelay $0x1  }
0xa1: {  	s23 =	simm.s32 $0x1B8B  }
0xa2: {  	_ =	swait.ge [sflag:s23], $0x1  }
0xa3: {  	[sflag:s23] =	ssyncset.done $0x0  }
0xa4: {  	s25 =	simm.s32 $0x1B8E;
	s24 =	sld [smem:$0x3FFE];
	[sflag:s23] =	ssyncadd.s32 $0xFFFFFFFF  }
0xa5: {  	s26 =	simm.s32 $execute0_lowered;
	[smem:$0x3FD2] =	sst s25  }
0xa6: {  	s4 =	sshll.u32 s26, $0x1;
	_ =	strace $0x80000046;
	[dreg:$0x1] =	wrdreg $0xFFFFFFFF  }
0xa7: {  	s28 =	simm.s32 $_size_execute0_lowered;
	s2 =	sadd.s32 s2, s4;
	[dreg:$0x0] =	wrdreg $0x0  }
0xa8: {  	s4 =	sshll.u32 s28, $0x1;
	[dreg:$0x2] =	wrdreg s2  }
0xa9: {  	[dreg:$0x3] =	wrdreg s4  }
0xaa: {  	[dreg:$0x4] =	wrdreg $0xC0  }
0xab: {  	_ =	task [dreg:s6], $0x5FFFF  }
0xac: {  	[dreg:$0x1] =	wrdreg $0xFFFFFFFF  }
0xad: {  	[dreg:$0x0] =	wrdreg $0x60  }
0xae: {  	[dreg:$0x2] =	wrdreg s24  }
0xaf: {  	[dreg:$0x3] =	wrdreg $0x9  }
0xb0: {  	_ =	task.clear_ibuf [dreg:s6], $0x4FFFF;
	_ =	strace $0x90000046  }
0xb1: {  	s29 =	simm.s32 $0x9;
	_ =	strace $0x80000048  }
0xb2: {  	_ =	swait.ge [sflag:s29], $0x1  }
0xb3: {  	[sflag:s29] =	ssyncadd.s32 $0xFFFFFFFF  }
0xb4: {  	_ =	strace $0x90000048  }
0xb5: {  	_ =	sfence  }
0xb6: {  	s30 =	sld [smem:$0x0];
	_ =	sdelay $0x2  }
0xb7: {  	s31 =	sshll.u32 s1, $0xD;
	s1 =	sshrl.u32 s1, $0x2  }
0xb8: {  	s3 =	sand.u32 $0x4000, s31;
	s1 =	sadd.s32 s1, s30  }
0xb9: {  	s0 =	sor.u32 s3, s0;
	s1 =	sshll.u32 s1, $0x11  }
0xba: {  	s0 =	sor.u32 s1, s0  }
0xbb: {  	s0 =	sadd.s32 $0x8F2B, s0  }
0xbc: {  	[sflag:s0] =	ssyncadd.remote.s32 $0x1  }
0xbd: {  	_ =	sfence.sel $0xFFFF  }
0xbe: {  	[dreg:$0x0] =	wrdreg $0xFFFFFFFF;
	(pc) =	sbr.abs _section_cstart, $3  }
0xbf: {  	[dreg:$0x1] =	wrdreg $0xFFFFFFFF  }
0xc0: {  	_ =	task.clear_ibuf [dreg:s6], $0x2FFFF;
	_ =	strace $0x9FFFFFFF  }
0xc1: {  	(tm) =	ssettm $0x7FFFFFFF  }
tec
execute0_lowered:
.L_overlay_start_1:
0x0: {  	(tag) =	ssettag $0x1  }
0x1: {  	s6 =	rddreg [dreg:$0x0]  }
0x2: {  	s0 =	rddreg [dreg:$0x1];
	s2 =	simm.s32 $0x0;
	s3 =	srdreg.scid  }
0x3: {  	s1 =	stileid.u32;
	s13 =	simm.s32 $0x1;
	s14 =	simm.s32 $0x2000  }
0x4: {  	s15 =	simm.s32 $0x0;
	s7 =	sand.u32 $0x1, s3;
	s30 =	sshll.u32 s1, $0x1  }
0x5: {  	[smem:$0x7FF] =	sst s2;
	s3 =	sadd.s32 $0x632800, s6;
	s10 =	sor.u32 s7, s30  }
0x6: {  	s4 =	sadd.s32 $0x482800, s6;
	s5 =	sadd.s32 $0x2800, s6;
	s8 =	sshll.u32 s10, $0x4  }
0x7: {  	s31 =	ssub.s32 $0x2, s7;
	s11 =	sadd.s32 s8, s6;
	s6 =	smul.u32 $0x36000, s10  }
0x8: {  	_ =	strace $0x80000047;
	s9 =	sshrl.u32 s31, $0x1;
	s8 =	smul.u32 $0x6C000, s10  }
0x9: {  	s12 =	ssub.s32 s31, s9;
	s10 =	smul.u32 $0xD8000, s10;
	s7 =	sadd.s32 $0x362800, s11  }
0xa: {  	s9 =	sadd.s32 $0x362A00, s11;
	s11 =	sadd.s32 $0x362C00, s11;
	s12 =	smax.u32 s12, $0x1  }
.LBB2_1:
0xb: {  	v0 =	vimm.f32 $+Inf;
	v1 =	vimm.f32 $-Inf;
	v2 =	vimm.f32 $0.0e+00;
	s16 =	simm.s32 $0x0  }
.LBB2_2:
0xc: {  	s17 =	sshll.u32 s16, $0xD  }
0xd: {  	s17 =	sadd.s32 s6, s17  }
0xe: {  	s17 =	sshrl.u32 s17, $0x3  }
0xf: {  	s18 =	simm.s32 $0x0;
	s17 =	sadd.s32 s3, s17  }
0x10: {  	[tilespmem:s18], [sflag:$0x1] =	stream.linear.gather [hbm4b:s17+s18], $0x2000, $0x38;
	[tilespmem:$0x2080] =	vst v63  }
0x11: {  	_ =	swait.ge [sflag:s13], $0x2000  }
0x12: {  	[sflag:s13] =	ssyncset.done $0x0  }
0x13: {  	s31 =	simm.s32 $0x0;
	[sflag:s13] =	ssyncadd.s32 $0xFFFFE000  }
0x14: {  	s17 =	simm.s32 $0x40;
	v3 =	vld [tilespmem:s31+$0x0]  }
.LBB2_3:
0x15: {  	p0 =	sne.s32 s17, $0x7FC0  }
.Ltmp0:
0x16: {  	_ = 	snop;
	(pc) =	sbr.rel @p0 .LBB2_3-.Ltmp0, $3  }
0x17: {  	_ =	sdelay $0x1  }
0x18: {  	s18 =	sshra.s32 s17, $0x2;
	s17 =	sadd.s32 $0x40, s17;
	v0 =	vmin.f32 v0, v3;
	v1 =	vmax.f32 v1, v3;
	v4 =	vand.u32 $0x7FFFFFFF, v3  }
0x19: {  	v3 =	vld [tilespmem:s18+$0x0];
	v2 =	vadd.f32 v4, v2  }
0x1a: {  	s16 =	sadd.s32 $0x1, s16  }
0x1b: {  	p0 =	sne.s32 s16, $0x1B  }
.Ltmp1:
0x1c: {  	_ = 	snop;
	(pc) =	sbr.rel @p0 .LBB2_2-.Ltmp1, $3  }
0x1d: {  	_ =	sdelay $0x1  }
0x1e: {  	v4 =	vand.u32 $0x7FFFFFFF, v3  }
0x1f: {  	v0 =	vmin.f32 v0, v3;
	v1 =	vmax.f32 v1, v3;
	v2 =	vadd.f32 v4, v2  }
0x20: {  	[tilespmem:$0x2000] =	vst v0  }
0x21: {  	[tilespmem:$0x2010] =	vst v1  }
0x22: {  	s16 =	simm.s32 $0x0;
	[tilespmem:$0x2020] =	vst v2  }
0x23: {  	[hbm4b:s7+s16] =	stream.linear.scatter [tilespmem:s14], [sflag:$0x1], $0x80, $0x38;
	[tilespmem:$0x2080] =	vst v63  }
0x24: {  	_ =	swait.ge [sflag:s13], $0x80  }
0x25: {  	[sflag:s13] =	ssyncset.done $0x0  }
0x26: {  	v0 =	vimm.f32 $+Inf;
	v1 =	vimm.f32 $-Inf;
	s17 =	simm.s32 $0x0;
	v2 =	vimm.f32 $0.0e+00;
	[sflag:s13] =	ssyncadd.s32 $0xFFFFFF80  }
.LBB2_6:
0x27: {  	s18 =	sshll.u32 s17, $0xD  }
0x28: {  	s18 =	sadd.s32 s8, s18  }
0x29: {  	s18 =	sshrl.u32 s18, $0x3  }
0x2a: {  	s18 =	sadd.s32 s4, s18  }
0x2b: {  	[tilespmem:s16], [sflag:$0x1] =	stream.linear.gather [hbm4b:s18+s16], $0x2000, $0x38;
	[tilespmem:$0x2080] =	vst v63  }
0x2c: {  	_ =	swait.ge [sflag:s13], $0x2000  }
0x2d: {  	[sflag:s13] =	ssyncset.done $0x0  }
0x2e: {  	s19 =	simm.s32 $0x0;
	[sflag:s13] =	ssyncadd.s32 $0xFFFFE000  }
0x2f: {  	s18 =	simm.s32 $0x40;
	v3 =	vld [tilespmem:s19+$0x0]  }
.LBB2_7:
0x30: {  	p0 =	sne.s32 s18, $0x7FC0  }
.Ltmp2:
0x31: {  	_ = 	snop;
	(pc) =	sbr.rel @p0 .LBB2_7-.Ltmp2, $3  }
0x32: {  	_ =	sdelay $0x1  }
0x33: {  	s19 =	sshra.s32 s18, $0x2;
	s18 =	sadd.s32 $0x40, s18;
	v0 =	vmin.f32 v0, v3;
	v1 =	vmax.f32 v1, v3;
	v4 =	vand.u32 $0x7FFFFFFF, v3  }
0x34: {  	v3 =	vld [tilespmem:s19+$0x0];
	v2 =	vadd.f32 v4, v2  }
0x35: {  	s17 =	sadd.s32 $0x1, s17  }
0x36: {  	p0 =	sne.s32 s17, $0x36  }
.Ltmp3:
0x37: {  	_ = 	snop;
	(pc) =	sbr.rel @p0 .LBB2_6-.Ltmp3, $3  }
0x38: {  	_ =	sdelay $0x1  }
0x39: {  	v4 =	vand.u32 $0x7FFFFFFF, v3  }
0x3a: {  	v0 =	vmin.f32 v0, v3;
	v1 =	vmax.f32 v1, v3;
	v2 =	vadd.f32 v4, v2  }
0x3b: {  	[tilespmem:$0x2000] =	vst v0  }
0x3c: {  	[tilespmem:$0x2010] =	vst v1  }
0x3d: {  	s16 =	simm.s32 $0x0;
	[tilespmem:$0x2020] =	vst v2  }
0x3e: {  	[hbm4b:s9+s16] =	stream.linear.scatter [tilespmem:s14], [sflag:$0x1], $0x80, $0x38;
	[tilespmem:$0x2080] =	vst v63  }
0x3f: {  	_ =	swait.ge [sflag:s13], $0x80  }
0x40: {  	[sflag:s13] =	ssyncset.done $0x0  }
0x41: {  	v0 =	vimm.f32 $+Inf;
	v1 =	vimm.f32 $-Inf;
	s17 =	simm.s32 $0x0;
	v2 =	vimm.f32 $0.0e+00;
	[sflag:s13] =	ssyncadd.s32 $0xFFFFFF80  }
.LBB2_10:
0x42: {  	s18 =	sshll.u32 s17, $0xD  }
0x43: {  	s18 =	sadd.s32 s10, s18  }
0x44: {  	s18 =	sshrl.u32 s18, $0x3  }
0x45: {  	s18 =	sadd.s32 s5, s18  }
0x46: {  	[tilespmem:s16], [sflag:$0x1] =	stream.linear.gather [hbm4b:s18+s16], $0x2000, $0x38;
	[tilespmem:$0x2080] =	vst v63  }
0x47: {  	_ =	swait.ge [sflag:s13], $0x2000  }
0x48: {  	[sflag:s13] =	ssyncset.done $0x0  }
0x49: {  	s19 =	simm.s32 $0x0;
	[sflag:s13] =	ssyncadd.s32 $0xFFFFE000  }
0x4a: {  	s18 =	simm.s32 $0x40;
	v3 =	vld [tilespmem:s19+$0x0]  }
.LBB2_11:
0x4b: {  	p0 =	sne.s32 s18, $0x7FC0  }
.Ltmp4:
0x4c: {  	_ = 	snop;
	(pc) =	sbr.rel @p0 .LBB2_11-.Ltmp4, $3  }
0x4d: {  	_ =	sdelay $0x1  }
0x4e: {  	s19 =	sshra.s32 s18, $0x2;
	s18 =	sadd.s32 $0x40, s18;
	v0 =	vmin.f32 v0, v3;
	v1 =	vmax.f32 v1, v3;
	v4 =	vand.u32 $0x7FFFFFFF, v3  }
0x4f: {  	v3 =	vld [tilespmem:s19+$0x0];
	v2 =	vadd.f32 v4, v2  }
0x50: {  	s17 =	sadd.s32 $0x1, s17  }
0x51: {  	p0 =	sne.s32 s17, $0x6C  }
.Ltmp5:
0x52: {  	_ = 	snop;
	(pc) =	sbr.rel @p0 .LBB2_10-.Ltmp5, $3  }
0x53: {  	_ =	sdelay $0x1  }
0x54: {  	v4 =	vand.u32 $0x7FFFFFFF, v3  }
0x55: {  	v0 =	vmin.f32 v0, v3;
	v1 =	vmax.f32 v1, v3;
	v2 =	vadd.f32 v4, v2  }
0x56: {  	[tilespmem:$0x2000] =	vst v0;
	s15 =	sadd.s32 $0x1, s15  }
0x57: {  	[tilespmem:$0x2010] =	vst v1;
	p0 =	sne.s32 s15, s12  }
.Ltmp6:
0x58: {  	[tilespmem:$0x2020] =	vst v2;
	(pc) =	sbr.rel @p0 .LBB2_1-.Ltmp6, $4  }
0x59: {  	[hbm4b:s11+s2] =	stream.linear.scatter [tilespmem:s14], [sflag:$0x1], $0x80, $0x38;
	[tilespmem:$0x2080] =	vst v63  }
0x5a: {  	_ =	swait.ge [sflag:s13], $0x80  }
0x5b: {  	[sflag:s13] =	ssyncset.done $0x0  }
0x5c: {  	[sflag:s13] =	ssyncadd.s32 $0xFFFFFF80  }
0x5d: {  	_ =	sfence.sel $0x180000  }
0x5e: {  	[bflag:$0x0] =	sbarrier.arrive $0xFFFF  }
0x5f: {  	p0 =	sne.s32 s1, $0x0;
	_ =	strace $0x90000047  }
0x60: {  	s0 =	sadd.s32 @!p0 $0x100000, s0;
	[bflag:$0x2] =	sbarrier.arrive $0xFFFF  }
0x61: {  	[sflag:s0] =	ssyncadd.tile.s32 @!p0 $0x1;
	_ =	shalt  }
.Lfunc_end2:
_tile_overlayer_lowered:
.L_overlay_start_2:
0x62: {  	(tag) =	ssettag $0x2  }
0x63: {  	s0 =	rddreg [dreg:$0x0];
	s2 =	stileid.u32  }
0x64: {  	s1 =	rddreg [dreg:$0x1];
	p0 =	sne.s32 s2, $0x0  }
0x65: {  	s3 =	rddreg [dreg:$0x2];
	[bflag:$0x3] =	sbarrier.arrive $0xFFFF;
	s2 =	simm.s32 @!p0 $0x1C01  }
0x66: {  	[timem:s3], [sflag:s2] =	dma.local @!p0 [hbm:s0], s1  }
0x67: {  	s0 =	simm.s32 @!p0 $0x1  }
0x68: {  	_ =	swait.ge @!p0 [sflag:s0], s1  }
0x69: {  	s1 =	ssub.s32 @!p0 $0x0, s1;
	[sflag:s0] =	ssyncset.done @!p0 $0x0  }
0x6a: {  	[sflag:s0] =	ssyncadd.s32 @!p0 s1  }
0x6b: {  	[bflag:$0x3] =	sbarrier.arrive $0xFFFF  }
0x6c: {  	_ =	shalt  }

// kernel: kernel.8.cloned.1.call-start
scs
__scs_entry_jumppad:
0x0: {  	(pc) =	sbr.rel $0x88, $3  }
0x1: {  	(tag) =	ssettag $0x0;
	lr =	simm.s32 $0x1  }
0x2: {  	[smem:$0x3F9E] =	sst lr;
	_ =	strace $0xD0000000  }
0x3: {  	_ = 	snop  }
0x4: {  	_ = 	snop  }
0x5: {  	_ = 	snop  }
0x6: {  	_ = 	snop  }
0x7: {  	_ = 	snop  }
__scs_overlays_trampoline_lowered:
0x8: {  	[smem:$0x3FAD] =	sst s0  }
0x9: {  	[smem:$0x3FAE] =	sst s1  }
0xa: {  	[smem:$0x3FAF] =	sst s2  }
0xb: {  	[smem:$0x3FB0] =	sst s3  }
0xc: {  	[smem:$0x3FB1] =	sst s4  }
0xd: {  	[smem:$0x3FB2] =	sst s5  }
0xe: {  	[smem:$0x3FB3] =	sst s6  }
0xf: {  	[smem:$0x3FB4] =	sst s7  }
0x10: {  	[smem:$0x3FB5] =	sst s8  }
0x11: {  	[smem:$0x3FB6] =	sst s9;
	s0 =	simm.s32 @!p0 $0x0  }
0x12: {  	s1 =	sld [smem:$0x3F9C];
	s0 =	simm.s32 @p0 $0x1  }
0x13: {  	[smem:$0x3FB7] =	sst s0;
	s0 =	simm.s32 @!p1 $0x0  }
0x14: {  	s2 =	sld [smem:$0x3F9B];
	s0 =	simm.s32 @p1 $0x1  }
0x15: {  	[smem:$0x3FB8] =	sst s0;
	s0 =	simm.s32 @!p2 $0x0  }
0x16: {  	s3 =	sld [smem:$0x3FDB];
	s0 =	simm.s32 @p2 $0x1  }
0x17: {  	s4 =	simm.s32 $0x1BF5;
	[smem:$0x3FBA] =	sst s0  }
0x18: {  	s0 =	sld [smem:$0x3F9D];
	_ =	swait.ge [sflag:s4], $0x0  }
0x19: {  	s7 =	sld [smem:$0x3F9E]  }
0x1a: {  	s8 =	sadd.s32 $0xFFFFE003, lr  }
0x1b: {  	s9 =	sadd.s32 $0xFFFFFEF7, lr;
	s5 =	simm.s32 $0xFFFFFFFF;
	p2 =	slt.u32 s8, $0xFFFFF086  }
0x1c: {  	p1 =	slt.u32 s9, $0xF7A;
	s5 =	simm.s32 @!p2 $0x0  }
0x1d: {  	s5 =	simm.s32 @p1 $0x1;
	p0 =	seq.s32 s7, s2  }
0x1e: {  	s7 =	smul.u32 @!p0 $0xF7A, s2;
	p2 =	seq.s32 @!p0 s5, $0x0  }
0x1f: {  	s9 =	smul.u32 $0xF7A, s1;
	s8 =	simm.s32 @!p0 $0x1BF5;
	p2 =	por !p2, p0  }
0x20: {  	[sflag:s8] =	ssyncset.s32 @!p0 $0xFFFFF086;
	s6 =	sadd.s32 @!p0 s3, s7;
	s7 =	simm.s32 @!p0 $0x108  }
0x21: {  	s3 =	sadd.s32 s3, s9;
	s6 =	sadd.s32 @!p0 $0x88, s6;
	s7 =	simm.s32 @p2 $0x1082  }
0x22: {  	[simem:s7], [sflag:s8] =	dma.local @!p0 [hbm:s6], $0xF7A  }
0x23: {  	s9 =	sor.u32 $0xD0000000, s2;
	s6 =	simm.s32 $0x108;
	_ =	swait.ge @!p0 [sflag:s8], $0x0  }
0x24: {  	s3 =	sadd.s32 $0x88, s3;
	s6 =	simm.s32 @!p1 $0x1082;
	[sflag:s4] =	ssyncset.s32 $0xFFFFF086  }
0x25: {  	[simem:s6], [sflag:s4] =	dma.local [hbm:s3], $0xF7A  }
0x26: {  	[smem:$0x3F9E] =	sst s1;
	(tag) =	ssettag s2;
	_ =	strace s9  }
0x27: {  	s1 =	sld [smem:$0x3FAE]  }
0x28: {  	s2 =	sld [smem:$0x3FAF]  }
0x29: {  	s4 =	sld [smem:$0x3FB1]  }
0x2a: {  	p0 =	seq.s32 s5, $0x0;
	s5 =	sld [smem:$0x3FB2]  }
0x2b: {  	s6 =	sld [smem:$0x3FB3]  }
0x2c: {  	s7 =	sld [smem:$0x3FB4]  }
0x2d: {  	s3 =	simm.s32 $0x108;
	s8 =	sld [smem:$0x3FB5]  }
0x2e: {  	s3 =	simm.s32 @!p0 $0x1082;
	s9 =	sld [smem:$0x3FB6]  }
0x2f: {  	lr =	sadd.s32 s0, s3;
	s0 =	sld [smem:$0x3FAD]  }
0x30: {  	s3 =	sld [smem:$0x3FB0]  }
0x31: {  	[smem:$0x3FB9] =	sst s10  }
0x32: {  	s10 =	sld [smem:$0x3FB7];
	_ =	sdelay $0x3  }
0x33: {  	p0 =	seq.s32 s10, $0x1;
	s10 =	sld [smem:$0x3FB9];
	_ =	sdelay $0x3  }
0x34: {  	[smem:$0x3FB9] =	sst s10  }
0x35: {  	s10 =	sld [smem:$0x3FB8];
	_ =	sdelay $0x3  }
0x36: {  	p1 =	seq.s32 s10, $0x1;
	s10 =	sld [smem:$0x3FB9];
	_ =	sdelay $0x3  }
0x37: {  	[smem:$0x3FB9] =	sst s10  }
0x38: {  	s10 =	sld [smem:$0x3FBA]  }
0x39: {  	_ = 	snop;
	(pc) =	sbr.ind lr, $3  }
0x3a: {  	_ = 	snop  }
0x3b: {  	_ = 	snop  }
0x3c: {  	p2 =	seq.s32 s10, $0x1;
	s10 =	sld [smem:$0x3FB9]  }
0x3d: {  	_ =	shalt  }
0x3e: {  	_ =	shalt  }
0x3f: {  	_ =	shalt  }
0x40: {  	_ =	shalt  }
0x41: {  	_ =	shalt  }
0x42: {  	_ =	shalt  }
0x43: {  	_ =	shalt  }
0x44: {  	_ =	shalt  }
0x45: {  	_ =	shalt  }
0x46: {  	_ =	shalt  }
0x47: {  	_ =	shalt  }
0x48: {  	_ =	shalt  }
0x49: {  	_ =	shalt  }
0x4a: {  	_ =	shalt  }
0x4b: {  	_ =	shalt  }
0x4c: {  	_ =	shalt  }
0x4d: {  	_ =	shalt  }
0x4e: {  	_ =	shalt  }
0x4f: {  	_ =	shalt  }
0x50: {  	_ =	shalt  }
0x51: {  	_ =	shalt  }
0x52: {  	_ =	shalt  }
0x53: {  	_ =	shalt  }
0x54: {  	_ =	shalt  }
0x55: {  	_ =	shalt  }
0x56: {  	_ =	shalt  }
0x57: {  	_ =	shalt  }
0x58: {  	_ =	shalt  }
0x59: {  	_ =	shalt  }
0x5a: {  	_ =	shalt  }
0x5b: {  	_ =	shalt  }
0x5c: {  	_ =	shalt  }
0x5d: {  	_ =	shalt  }
0x5e: {  	_ =	shalt  }
0x5f: {  	_ =	shalt  }
0x60: {  	_ =	shalt  }
0x61: {  	_ =	shalt  }
0x62: {  	_ =	shalt  }
0x63: {  	_ =	shalt  }
0x64: {  	_ =	shalt  }
0x65: {  	_ =	shalt  }
0x66: {  	_ =	shalt  }
0x67: {  	_ =	shalt  }
0x68: {  	_ =	shalt  }
0x69: {  	_ =	shalt  }
0x6a: {  	_ =	shalt  }
0x6b: {  	_ =	shalt  }
0x6c: {  	_ =	shalt  }
0x6d: {  	_ =	shalt  }
0x6e: {  	_ =	shalt  }
0x6f: {  	_ =	shalt  }
0x70: {  	_ =	shalt  }
0x71: {  	_ =	shalt  }
0x72: {  	_ =	shalt  }
0x73: {  	_ =	shalt  }
0x74: {  	_ =	shalt  }
0x75: {  	_ =	shalt  }
0x76: {  	_ =	shalt  }
0x77: {  	_ =	shalt  }
0x78: {  	_ =	shalt  }
0x79: {  	_ =	shalt  }
0x7a: {  	_ =	shalt  }
0x7b: {  	_ =	shalt  }
0x7c: {  	_ =	shalt  }
0x7d: {  	_ =	shalt  }
0x7e: {  	_ =	shalt  }
0x7f: {  	_ =	shalt  }
0x80: {  	_ =	shalt  }
0x81: {  	_ =	shalt  }
0x82: {  	_ =	shalt  }
0x83: {  	_ =	shalt  }
0x84: {  	_ =	shalt  }
0x85: {  	_ =	shalt  }
0x86: {  	_ =	shalt  }
0x87: {  	_ =	shalt  }
.Lfunc_end0:
.L_simem_size_0:
called_computation.1_lowered:
.L_overlay_start_0:
0x88: {  	s2 =	sld [smem:$0x3FD9]  }
0x89: {  	s3 =	sld [smem:$0x3FFE];
	_ =	sdelay $0x1  }
0x8a: {  	s1 =	srdreg.scid  }
0x8b: {  	s0 =	sand.u32 $0x1, s1  }
0x8c: {  	s16 =	sshll.u32 s0, $0xA;
	s2 =	sadd.s32 s3, s2  }
0x8d: {  	s2 =	sadd.s32 s2, s16  }
0x8e: {  	[smem:$0x3FC5] =	sst s2  }
0x8f: {  	_ = 	snop  }
0x90: {  	(tm) =	ssettm $0x1  }
0x91: {  	s17 =	sld [smem:$0x3FFB];
	_ =	sdelay $0x3  }
0x92: {  	_ =	strace s17  }
0x93: {  	s2 =	sld [smem:$0x3FFC];
	_ =	sdelay $0x3  }
0x94: {  	_ =	strace s2  }
0x95: {  	s2 =	sld [smem:$0x3FFD];
	_ =	sdelay $0x3  }
0x96: {  	_ =	strace s2  }
0x97: {  	_ =	strace $0x8FFFFFFF  }
0x98: {  	s18 =	sld [smem:$0x3FDB];
	_ =	sdelay $0x1  }
0x99: {  	s19 =	simm.s32 $_scs_section_size  }
0x9a: {  	s4 =	simm.s32 $_size__tile_overlayer_lowered;
	s5 =	simm.s32 $_tile_overlayer_lowered  }
0x9b: {  	s22 =	simm.s32 $0x1BFF;
	s21 =	sshll.u32 s5, $0x1;
	s2 =	sadd.s32 s19, s18  }
0x9c: {  	s6 =	simm.s32 $0x0;
	s20 =	sshll.u32 s4, $0x1;
	s4 =	sadd.s32 s21, s2  }
0x9d: {  	[timem:s6], [sflag:s22] =	dma.local [hbm:s4], s20  }
0x9e: {  	_ =	swait.ge [sflag:s22], s20  }
0x9f: {  	s3 =	ssub.s32 $0x0, s20;
	[sflag:s22] =	ssyncset.done $0x0  }
0xa0: {  	[sflag:s22] =	ssyncadd.s32 s3;
	_ =	sdelay $0x1  }
0xa1: {  	s23 =	simm.s32 $0x1B8B  }
0xa2: {  	_ =	swait.ge [sflag:s23], $0x1  }
0xa3: {  	[sflag:s23] =	ssyncset.done $0x0  }
0xa4: {  	s25 =	simm.s32 $0x1B8E;
	s24 =	sld [smem:$0x3FFE];
	[sflag:s23] =	ssyncadd.s32 $0xFFFFFFFF  }
0xa5: {  	s26 =	simm.s32 $execute0_lowered;
	[smem:$0x3FD2] =	sst s25  }
0xa6: {  	s4 =	sshll.u32 s26, $0x1;
	_ =	strace $0x80000049;
	[dreg:$0x1] =	wrdreg $0xFFFFFFFF  }
0xa7: {  	s28 =	simm.s32 $_size_execute0_lowered;
	s2 =	sadd.s32 s2, s4;
	[dreg:$0x0] =	wrdreg $0x0  }
0xa8: {  	s4 =	sshll.u32 s28, $0x1;
	[dreg:$0x2] =	wrdreg s2  }
0xa9: {  	[dreg:$0x3] =	wrdreg s4  }
0xaa: {  	[dreg:$0x4] =	wrdreg $0xC0  }
0xab: {  	_ =	task [dreg:s6], $0x5FFFF  }
0xac: {  	[dreg:$0x1] =	wrdreg $0xFFFFFFFF  }
0xad: {  	[dreg:$0x0] =	wrdreg $0x60  }
0xae: {  	[dreg:$0x2] =	wrdreg s24  }
0xaf: {  	[dreg:$0x3] =	wrdreg $0x9  }
0xb0: {  	_ =	task.clear_ibuf [dreg:s6], $0x4FFFF;
	_ =	strace $0x90000049  }
0xb1: {  	s29 =	simm.s32 $0x9;
	_ =	strace $0x8000004B  }
0xb2: {  	_ =	swait.ge [sflag:s29], $0x1  }
0xb3: {  	[sflag:s29] =	ssyncadd.s32 $0xFFFFFFFF  }
0xb4: {  	_ =	strace $0x9000004B  }
0xb5: {  	_ =	sfence  }
0xb6: {  	s30 =	sld [smem:$0x0];
	_ =	sdelay $0x2  }
0xb7: {  	s31 =	sshll.u32 s1, $0xD;
	s1 =	sshrl.u32 s1, $0x2  }
0xb8: {  	s3 =	sand.u32 $0x4000, s31;
	s1 =	sadd.s32 s1, s30  }
0xb9: {  	s0 =	sor.u32 s3, s0;
	s1 =	sshll.u32 s1, $0x11  }
0xba: {  	s0 =	sor.u32 s1, s0  }
0xbb: {  	s0 =	sadd.s32 $0x8F2B, s0  }
0xbc: {  	[sflag:s0] =	ssyncadd.remote.s32 $0x1  }
0xbd: {  	_ =	sfence.sel $0xFFFF  }
0xbe: {  	[dreg:$0x0] =	wrdreg $0xFFFFFFFF;
	(pc) =	sbr.abs _section_cstart, $3  }
0xbf: {  	[dreg:$0x1] =	wrdreg $0xFFFFFFFF  }
0xc0: {  	_ =	task.clear_ibuf [dreg:s6], $0x2FFFF;
	_ =	strace $0x9FFFFFFF  }
0xc1: {  	(tm) =	ssettm $0x7FFFFFFF  }
tec
execute0_lowered:
.L_overlay_start_1:
0x0: {  	(tag) =	ssettag $0x1  }
0x1: {  	s7 =	rddreg [dreg:$0x0]  }
0x2: {  	s0 =	rddreg [dreg:$0x1];
	s2 =	simm.s32 $0x0;
	s3 =	srdreg.scid  }
0x3: {  	s1 =	stileid.u32;
	s14 =	simm.s32 $0x3000;
	s15 =	simm.s32 $0x1  }
0x4: {  	s16 =	simm.s32 $0x2000;
	s17 =	simm.s32 $0x80;
	s18 =	simm.s32 $0x400  }
0x5: {  	s19 =	simm.s32 $0x4200;
	s8 =	sand.u32 $0x1, s3;
	s30 =	sshll.u32 s1, $0x1  }
0x6: {  	s20 =	simm.s32 $0x0;
	[smem:$0x7FF] =	sst s2;
	s11 =	sor.u32 s8, s30  }
0x7: {  	s3 =	sadd.s32 $0x632800, s7;
	s5 =	sshll.u32 s1, $0x6;
	s6 =	sshll.u32 s11, $0x4  }
0x8: {  	s4 =	sadd.s32 $0x482800, s7;
	s9 =	sand.u32 $0x300, s5;
	s10 =	sand.u32 $0x70, s6  }
0x9: {  	s5 =	sadd.s32 $0x2800, s7;
	s31 =	ssub.s32 $0x2, s8;
	s9 =	sor.u32 s9, s10  }
0xa: {  	s6 =	sadd.s32 $0x362E00, s7;
	s12 =	sadd.s32 s9, s7;
	s7 =	smul.u32 $0x36000, s11  }
0xb: {  	_ =	strace $0x8000004A;
	s13 =	sshrl.u32 s31, $0x1;
	s9 =	smul.u32 $0x6C000, s11  }
0xc: {  	v1 =	vlaneseq.u32;
	s13 =	ssub.s32 s31, s13;
	s11 =	smul.u32 $0xD8000, s11;
	s8 =	sadd.s32 $0x363200, s12  }
0xd: {  	v0 =	vimm.f32 $0.0e+00;
	v2 =	vimm.f32 $1.000000000e+00;
	v1 =	vmul.u32 $0x100, v1;
	s13 =	smax.u32 s13, $0x1;
	s10 =	sadd.s32 $0x363600, s12;
	s12 =	sadd.s32 $0x363A00, s12  }
.LBB2_1:
0xe: {  	[tilespmem:s14], [sflag:$0x1] =	stream.linear.gather [hbm4b:s6+s2], $0x1200, $0x38;
	[tilespmem:$0x4300] =	vst v63  }
0xf: {  	_ =	swait.ge [sflag:s15], $0x1200  }
0x10: {  	[sflag:s15] =	ssyncset.done $0x0  }
0x11: {  	s22 =	simm.s32 $0x0;
	[sflag:s15] =	ssyncadd.s32 $0xFFFFEE00  }
0x12: {  	v5 =	vld [tilespmem:s22+$0x3010]  }
0x13: {  	v4 =	vimm.f32 $+Inf;
	v3 =	vimm.f32 $-Inf;
	s21 =	simm.s32 $0xC0;
	v6 =	vld [tilespmem:s22+$0x3000]  }
.LBB2_2:
0x14: {  	p0 =	sne.s32 s21, $0x1740  }
.Ltmp0:
0x15: {  	_ = 	snop;
	(pc) =	sbr.rel @p0 .LBB2_2-.Ltmp0, $4  }
0x16: {  	_ = 	snop  }
0x17: {  	s22 =	sshra.s32 s21, $0x2;
	s21 =	sadd.s32 $0xC0, s21;
	v3 =	vmax.f32 v3, v5  }
0x18: {  	v5 =	vld [tilespmem:s22+$0x3010];
	v4 =	vmin.f32 v4, v6  }
0x19: {  	v6 =	vld [tilespmem:s22+$0x3000]  }
0x1a: {  	_ =	sdelay $0x3  }
0x1b: {  	s22 =	simm.s32 $0x40;
	s21 =	simm.s32 $0x0;
	v3 =	vmax.f32 v3, v5;
	v4 =	vmin.f32 v4, v6  }
.LBB2_4:
0x1c: {  	p0 =	sne.s32 s22, $0x3FC0;
	[tilespmem:s21+$0x2000] =	vst v0;
	s21 =	smov.u32 s22;
	s22 =	sadd.s32 $0x40, s22  }
.Ltmp1:
0x1d: {  	(pc) =	sbr.rel @p0 .LBB2_4-.Ltmp1, $2  }
0x1e: {  	_ =	sdelay $0x2  }
0x1f: {  	s21 =	sshra.s32 s21, $0x2  }
0x20: {  	(v2sf) =	vpush v4, $0x0  }
0x21: {  	(v2sf) =	vpush v3, $0x0  }
0x22: {  	(v2sf) =	vpush v4, $0x1  }
0x23: {  	(v2sf) =	vpush v3, $0x1  }
0x24: {  	(v2sf) =	vpush v4, $0x2  }
0x25: {  	(v2sf) =	vpush v3, $0x2  }
0x26: {  	(v2sf) =	vpush v4, $0x3  }
0x27: {  	(v2sf) =	vpush v3, $0x3  }
0x28: {  	(v2sf) =	vpush v4, $0x4  }
0x29: {  	(v2sf) =	vpush v3, $0x4  }
0x2a: {  	(v2sf) =	vpush v4, $0x5  }
0x2b: {  	(v2sf) =	vpush v3, $0x5  }
0x2c: {  	(v2sf) =	vpush v4, $0x6  }
0x2d: {  	(v2sf) =	vpush v3, $0x6  }
0x2e: {  	(v2sf) =	vpush v4, $0x7  }
0x2f: {  	s22 =	spop (v2sf);
	(v2sf) =	vpush v3, $0x7  }
0x30: {  	s23 =	spop (v2sf);
	(v2sf) =	vpush v4, $0x8  }
0x31: {  	s24 =	spop (v2sf);
	(v2sf) =	vpush v3, $0x8  }
0x32: {  	s25 =	spop (v2sf);
	(v2sf) =	vpush v4, $0x9  }
0x33: {  	s22 =	smin.f32 s22, s24;
	s29 =	spop (v2sf);
	(v2sf) =	vpush v3, $0x9  }
0x34: {  	s23 =	smax.f32 s23, s25;
	s30 =	spop (v2sf);
	(v2sf) =	vpush v4, $0xA  }
0x35: {  	s22 =	smin.f32 s22, s29;
	s31 =	spop (v2sf);
	(v2sf) =	vpush v3, $0xA  }
0x36: {  	s23 =	smax.f32 s23, s30;
	s26 =	spop (v2sf);
	(v2sf) =	vpush v4, $0xB  }
0x37: {  	s22 =	smin.f32 s22, s31;
	s28 =	spop (v2sf);
	(v2sf) =	vpush v3, $0xB  }
0x38: {  	s23 =	smax.f32 s23, s26;
	s29 =	spop (v2sf);
	(v2sf) =	vpush v4, $0xC  }
0x39: {  	s22 =	smin.f32 s22, s28;
	s30 =	spop (v2sf);
	(v2sf) =	vpush v3, $0xC  }
0x3a: {  	s23 =	smax.f32 s23, s29;
	s31 =	spop (v2sf);
	(v2sf) =	vpush v4, $0xD  }
0x3b: {  	s22 =	smin.f32 s22, s30;
	s26 =	spop (v2sf);
	(v2sf) =	vpush v3, $0xD  }
0x3c: {  	s23 =	smax.f32 s23, s31;
	s28 =	spop (v2sf);
	(v2sf) =	vpush v4, $0xE  }
0x3d: {  	s22 =	smin.f32 s22, s26;
	s29 =	spop (v2sf);
	(v2sf) =	vpush v3, $0xE  }
0x3e: {  	s23 =	smax.f32 s23, s28;
	s30 =	spop (v2sf);
	(v2sf) =	vpush v4, $0xF  }
0x3f: {  	s22 =	smin.f32 s22, s29;
	s31 =	spop (v2sf);
	(v2sf) =	vpush v3, $0xF  }
0x40: {  	s23 =	smax.f32 s23, s30;
	s26 =	spop (v2sf)  }
0x41: {  	s22 =	smin.f32 s22, s31;
	s28 =	spop (v2sf)  }
0x42: {  	s23 =	smax.f32 s23, s26;
	s29 =	spop (v2sf)  }
0x43: {  	s22 =	smin.f32 s22, s28;
	s30 =	spop (v2sf)  }
0x44: {  	s23 =	smax.f32 s23, s29;
	s31 =	spop (v2sf)  }
0x45: {  	s22 =	smin.f32 s22, s30;
	s26 =	spop (v2sf)  }
0x46: {  	s23 =	smax.f32 s23, s31;
	s28 =	spop (v2sf)  }
0x47: {  	s22 =	smin.f32 s22, s26;
	s29 =	spop (v2sf)  }
0x48: {  	s23 =	smax.f32 s23, s28;
	s30 =	spop (v2sf)  }
0x49: {  	s22 =	smin.f32 s22, s29;
	s31 =	spop (v2sf)  }
0x4a: {  	s23 =	smax.f32 s23, s30;
	s26 =	spop (v2sf)  }
0x4b: {  	s22 =	smin.f32 s22, s31;
	s28 =	spop (v2sf)  }
0x4c: {  	s23 =	smax.f32 s23, s26;
	s29 =	spop (v2sf)  }
0x4d: {  	s22 =	smin.f32 s22, s28;
	s30 =	spop (v2sf)  }
0x4e: {  	s23 =	smax.f32 s23, s29;
	s31 =	spop (v2sf)  }
0x4f: {  	s22 =	smin.f32 s22, s30;
	s23 =	smax.f32 s23, s31  }
0x50: {  	s23 =	ssub.f32 s23, s22;
	_ =	sdelay $0x1  }
0x51: {  	s23 =	sadd.f32 $9.999999930e-09, s23;
	_ =	sdelay $0x1  }
0x52: {  	v3 =	vmov s23  }
0x53: {  	(erf) = vrcp.f32 v3;
	_ =	sdelay $0x8  }
0x54: {  	v4 =	vpop (erf)  }
0x55: {  	[tilespmem:s21+$0x2000] =	vst v0;
	s21 =	simm.s32 $0x0;
	v3 =	vmov s22;
	s22 =	simm.s32 $0x0;
	v4 =	vmul.f32 $2.560000000e+02, v4  }
.LBB2_6:
0x56: {  	s23 =	sshll.u32 s22, $0xD  }
0x57: {  	s23 =	sadd.s32 s7, s23  }
0x58: {  	s23 =	sshrl.u32 s23, $0x3  }
0x59: {  	s23 =	sadd.s32 s3, s23  }
0x5a: {  	[tilespmem:s21], [sflag:$0x1] =	stream.linear.gather [hbm4b:s23+s21], $0x2000, $0x38;
	[tilespmem:$0x4300] =	vst v63  }
0x5b: {  	_ =	swait.ge [sflag:s15], $0x2000  }
0x5c: {  	[sflag:s15] =	ssyncset.done $0x0  }
0x5d: {  	s24 =	simm.s32 $0x0;
	s23 =	simm.s32 $0x40;
	[sflag:s15] =	ssyncadd.s32 $0xFFFFE000  }
.LBB2_7:
0x5e: {  	p0 =	sne.s32 s23, $0x7FC0;
	v5 =	vld [tilespmem:s24+$0x0];
	_ =	sdelay $0x4  }
0x5f: {  	v5 =	vsub.f32 v5, v3;
	_ =	sdelay $0x1  }
0x60: {  	v5 =	vmul.f32 v5, v4;
	_ =	sdelay $0x1  }
0x61: {  	v5 =	vtrunc.f32 v5  }
0x62: {  	v5 =	vcvt.f32.s32 v5;
	_ =	sdelay $0x1  }
0x63: {  	vm0 =	vgt.s32 v5, $0x0  }
0x64: {  	v5 =	vnsel vm0, $0x0, v5  }
0x65: {  	v5 =	vmin.u32 v5, $0xFF  }
0x66: {  	v5 =	vor.u32 v1, v5  }
.Ltmp2:
0x67: {  	(pc) =	sbr.rel @p0 .LBB2_7-.Ltmp2, $2  }
0x68: {  	_ =	sdelay $0x2  }
0x69: {  	s24 =	sshra.s32 s23, $0x2;
	s23 =	sadd.s32 $0x40, s23;
	[tilespmem:v5+s16+$0x0] =	vst.idx.add.f32.msk $0xffff, v2  }
0x6a: {  	v5 =	vld [tilespmem:s24+$0x0];
	_ =	sdelay $0x4  }
0x6b: {  	v5 =	vsub.f32 v5, v3;
	_ =	sdelay $0x1  }
0x6c: {  	v5 =	vmul.f32 v5, v4;
	_ =	sdelay $0x1  }
0x6d: {  	v5 =	vtrunc.f32 v5  }
0x6e: {  	v5 =	vcvt.f32.s32 v5;
	_ =	sdelay $0x1  }
0x6f: {  	vm0 =	vgt.s32 v5, $0x0  }
0x70: {  	v5 =	vnsel vm0, $0x0, v5  }
0x71: {  	s22 =	sadd.s32 $0x1, s22;
	v5 =	vmin.u32 v5, $0xFF  }
0x72: {  	p0 =	sne.s32 s22, $0x1B;
	v5 =	vor.u32 v1, v5  }
.Ltmp3:
0x73: {  	_ = 	snop;
	(pc) =	sbr.rel @p0 .LBB2_6-.Ltmp3, $2  }
0x74: {  	_ =	sdelay $0x2  }
0x75: {  	[tilespmem:v5+s16+$0x0] =	vst.idx.add.f32.msk $0xffff, v2  }
0x76: {  	s21 =	simm.s32 $0x0  }
0x77: {  	s21 =	sand.u32 $0xF0, s21  }
0x78: {  	v3 =	vld [tilespmem:s21+$0x2000];
	_ =	sdelay $0x1  }
0x79: {  	v4 =	vld [tilespmem:s21+$0x2100];
	_ =	sdelay $0x1  }
0x7a: {  	v5 =	vld [tilespmem:s21+$0x2200]  }
0x7b: {  	v3 =	vadd.f32 $0.0e+00, v3  }
0x7c: {  	v6 =	vld [tilespmem:s21+$0x2300]  }
0x7d: {  	v3 =	vadd.f32 v4, v3  }
0x7e: {  	v52 =	vld [tilespmem:s21+$0x2400]  }
0x7f: {  	v3 =	vadd.f32 v5, v3  }
0x80: {  	v53 =	vld [tilespmem:s21+$0x2500]  }
0x81: {  	v3 =	vadd.f32 v6, v3  }
0x82: {  	v54 =	vld [tilespmem:s21+$0x2600]  }
0x83: {  	v3 =	vadd.f32 v52, v3  }
0x84: {  	v55 =	vld [tilespmem:s21+$0x2700]  }
0x85: {  	v3 =	vadd.f32 v53, v3  }
0x86: {  	v56 =	vld [tilespmem:s21+$0x2800]  }
0x87: {  	v3 =	vadd.f32 v54, v3  }
0x88: {  	v57 =	vld [tilespmem:s21+$0x2900]  }
0x89: {  	v3 =	vadd.f32 v55, v3  }
0x8a: {  	v58 =	vld [tilespmem:s21+$0x2A00]  }
0x8b: {  	v3 =	vadd.f32 v56, v3  }
0x8c: {  	v59 =	vld [tilespmem:s21+$0x2B00]  }
0x8d: {  	v3 =	vadd.f32 v57, v3  }
0x8e: {  	v60 =	vld [tilespmem:s21+$0x2C00]  }
0x8f: {  	v3 =	vadd.f32 v58, v3  }
0x90: {  	v61 =	vld [tilespmem:s21+$0x2D00]  }
0x91: {  	v3 =	vadd.f32 v59, v3  }
0x92: {  	v62 =	vld [tilespmem:s21+$0x2E00]  }
0x93: {  	v3 =	vadd.f32 v60, v3  }
0x94: {  	v63 =	vld [tilespmem:s21+$0x2F00]  }
0x95: {  	v3 =	vadd.f32 v61, v3;
	_ =	sdelay $0x1  }
0x96: {  	v3 =	vadd.f32 v62, v3;
	_ =	sdelay $0x1  }
0x97: {  	v3 =	vadd.f32 v63, v3  }
0x98: {  	s22 =	simm.s32 $0x10;
	s21 =	simm.s32 $0x4200  }
0x99: {  	s23 =	simm.s32 $0x20;
	s22 =	sand.u32 $0xF0, s22;
	[tilespmem:s21+$0x0] =	vst v3  }
.LBB2_10:
0x9a: {  	p0 =	sne.s32 s23, $0xF0;
	v3 =	vld [tilespmem:s22+$0x2000];
	_ =	sdelay $0x1  }
0x9b: {  	v4 =	vld [tilespmem:s22+$0x2100];
	_ =	sdelay $0x1  }
0x9c: {  	v5 =	vld [tilespmem:s22+$0x2200]  }
0x9d: {  	v3 =	vadd.f32 $0.0e+00, v3  }
0x9e: {  	v6 =	vld [tilespmem:s22+$0x2300]  }
0x9f: {  	v3 =	vadd.f32 v4, v3  }
0xa0: {  	v4 =	vld [tilespmem:s22+$0x2400]  }
0xa1: {  	v3 =	vadd.f32 v5, v3  }
0xa2: {  	v5 =	vld [tilespmem:s22+$0x2500]  }
0xa3: {  	v3 =	vadd.f32 v6, v3  }
0xa4: {  	v6 =	vld [tilespmem:s22+$0x2600]  }
0xa5: {  	v3 =	vadd.f32 v4, v3  }
0xa6: {  	v4 =	vld [tilespmem:s22+$0x2700]  }
0xa7: {  	v3 =	vadd.f32 v5, v3  }
0xa8: {  	v5 =	vld [tilespmem:s22+$0x2800]  }
0xa9: {  	v3 =	vadd.f32 v6, v3  }
0xaa: {  	v6 =	vld [tilespmem:s22+$0x2900]  }
0xab: {  	v3 =	vadd.f32 v4, v3  }
0xac: {  	v4 =	vld [tilespmem:s22+$0x2A00]  }
0xad: {  	v3 =	vadd.f32 v5, v3  }
0xae: {  	v5 =	vld [tilespmem:s22+$0x2B00]  }
0xaf: {  	v3 =	vadd.f32 v6, v3  }
0xb0: {  	v6 =	vld [tilespmem:s22+$0x2C00]  }
0xb1: {  	v3 =	vadd.f32 v4, v3  }
0xb2: {  	v4 =	vld [tilespmem:s22+$0x2D00]  }
0xb3: {  	v3 =	vadd.f32 v5, v3  }
0xb4: {  	v5 =	vld [tilespmem:s22+$0x2E00]  }
0xb5: {  	v3 =	vadd.f32 v6, v3  }
0xb6: {  	v6 =	vld [tilespmem:s22+$0x2F00]  }
0xb7: {  	v3 =	vadd.f32 v4, v3;
	_ =	sdelay $0x1  }
.Ltmp4:
0xb8: {  	v3 =	vadd.f32 v5, v3;
	(pc) =	sbr.rel @p0 .LBB2_10-.Ltmp4, $4  }
0xb9: {  	_ = 	snop  }
0xba: {  	v3 =	vadd.f32 v6, v3  }
0xbb: {  	s21 =	sadd.s32 $0x10, s21  }
0xbc: {  	s22 =	sand.u32 $0xF0, s23;
	s23 =	sadd.s32 $0x10, s23;
	[tilespmem:s21+$0x0] =	vst v3  }
0xbd: {  	v3 =	vld [tilespmem:s22+$0x2000];
	_ =	sdelay $0x1  }
0xbe: {  	v4 =	vld [tilespmem:s22+$0x2100];
	_ =	sdelay $0x1  }
0xbf: {  	v5 =	vld [tilespmem:s22+$0x2200]  }
0xc0: {  	v3 =	vadd.f32 $0.0e+00, v3  }
0xc1: {  	v6 =	vld [tilespmem:s22+$0x2300]  }
0xc2: {  	v3 =	vadd.f32 v4, v3  }
0xc3: {  	v4 =	vld [tilespmem:s22+$0x2400]  }
0xc4: {  	v3 =	vadd.f32 v5, v3  }
0xc5: {  	v5 =	vld [tilespmem:s22+$0x2500]  }
0xc6: {  	v3 =	vadd.f32 v6, v3  }
0xc7: {  	v6 =	vld [tilespmem:s22+$0x2600]  }
0xc8: {  	v3 =	vadd.f32 v4, v3  }
0xc9: {  	v4 =	vld [tilespmem:s22+$0x2700]  }
0xca: {  	v3 =	vadd.f32 v5, v3  }
0xcb: {  	v5 =	vld [tilespmem:s22+$0x2800]  }
0xcc: {  	v3 =	vadd.f32 v6, v3  }
0xcd: {  	v6 =	vld [tilespmem:s22+$0x2900]  }
0xce: {  	v3 =	vadd.f32 v4, v3  }
0xcf: {  	v4 =	vld [tilespmem:s22+$0x2A00]  }
0xd0: {  	v3 =	vadd.f32 v5, v3  }
0xd1: {  	v5 =	vld [tilespmem:s22+$0x2B00]  }
0xd2: {  	v3 =	vadd.f32 v6, v3  }
0xd3: {  	v6 =	vld [tilespmem:s22+$0x2C00]  }
0xd4: {  	v3 =	vadd.f32 v4, v3  }
0xd5: {  	v4 =	vld [tilespmem:s22+$0x2D00]  }
0xd6: {  	v3 =	vadd.f32 v5, v3  }
0xd7: {  	v5 =	vld [tilespmem:s22+$0x2E00]  }
0xd8: {  	v3 =	vadd.f32 v6, v3  }
0xd9: {  	v6 =	vld [tilespmem:s22+$0x2F00]  }
0xda: {  	v3 =	vadd.f32 v4, v3;
	_ =	sdelay $0x1  }
0xdb: {  	v3 =	vadd.f32 v5, v3;
	_ =	sdelay $0x1  }
0xdc: {  	v3 =	vadd.f32 v6, v3  }
0xdd: {  	s21 =	sadd.s32 $0x10, s21  }
0xde: {  	[tilespmem:s21+$0x0] =	vst v3  }
0xdf: {  	[hbm4b:s8+s17] =	stream.strided.scatter [tilespmem:s19], [sflag:$0x1], $0x100, s18, s17, $0x38;
	[tilespmem:$0x4300] =	vst v63  }
0xe0: {  	_ =	swait.ge [sflag:s15], $0x100  }
0xe1: {  	[sflag:s15] =	ssyncset.done $0x0  }
0xe2: {  	s30 =	simm.s32 $0x0;
	s31 =	simm.s32 $0x3610;
	[sflag:s15] =	ssyncadd.s32 $0xFFFFFF00  }
0xe3: {  	s23 =	sand.u32 $0x7F0, s30;
	v3 =	vld [tilespmem:s31+$0x0]  }
0xe4: {  	v6 =	vld [tilespmem:s23+$0x3600];
	_ =	sdelay $0x3  }
0xe5: {  	s22 =	simm.s32 $0x3640;
	v4 =	vimm.f32 $+Inf;
	v5 =	vimm.f32 $-Inf;
	s21 =	simm.s32 $0x30  }
.LBB2_12:
0xe6: {  	s23 =	sand.u32 $0x7F0, s21;
	p0 =	sne.s32 s21, $0x5D0;
	s21 =	sadd.s32 $0x30, s21;
	v4 =	vmin.f32 v4, v6;
	v5 =	vmax.f32 v5, v3;
	v3 =	vld [tilespmem:s22+$0x0]  }
.Ltmp5:
0xe7: {  	v6 =	vld [tilespmem:s23+$0x3600];
	(pc) =	sbr.rel @p0 .LBB2_12-.Ltmp5, $2  }
0xe8: {  	_ =	sdelay $0x2  }
0xe9: {  	s22 =	sadd.s32 $0x30, s22  }
0xea: {  	v4 =	vmin.f32 v4, v6;
	v3 =	vmax.f32 v5, v3;
	s22 =	simm.s32 $0x40;
	s21 =	simm.s32 $0x0  }
.LBB2_14:
0xeb: {  	p0 =	sne.s32 s22, $0x3FC0;
	[tilespmem:s21+$0x2000] =	vst v0;
	s21 =	smov.u32 s22;
	s22 =	sadd.s32 $0x40, s22  }
.Ltmp6:
0xec: {  	(pc) =	sbr.rel @p0 .LBB2_14-.Ltmp6, $2  }
0xed: {  	_ =	sdelay $0x2  }
0xee: {  	s21 =	sshra.s32 s21, $0x2  }
0xef: {  	(v2sf) =	vpush v4, $0x0  }
0xf0: {  	(v2sf) =	vpush v3, $0x0  }
0xf1: {  	(v2sf) =	vpush v4, $0x1  }
0xf2: {  	(v2sf) =	vpush v3, $0x1  }
0xf3: {  	(v2sf) =	vpush v4, $0x2  }
0xf4: {  	(v2sf) =	vpush v3, $0x2  }
0xf5: {  	(v2sf) =	vpush v4, $0x3  }
0xf6: {  	(v2sf) =	vpush v3, $0x3  }
0xf7: {  	(v2sf) =	vpush v4, $0x4  }
0xf8: {  	(v2sf) =	vpush v3, $0x4  }
0xf9: {  	(v2sf) =	vpush v4, $0x5  }
0xfa: {  	(v2sf) =	vpush v3, $0x5  }
0xfb: {  	(v2sf) =	vpush v4, $0x6  }
0xfc: {  	(v2sf) =	vpush v3, $0x6  }
0xfd: {  	(v2sf) =	vpush v4, $0x7  }
0xfe: {  	s22 =	spop (v2sf);
	(v2sf) =	vpush v3, $0x7  }
0xff: {  	s23 =	spop (v2sf);
	(v2sf) =	vpush v4, $0x8  }
0x100: {  	s24 =	spop (v2sf);
	(v2sf) =	vpush v3, $0x8  }
0x101: {  	s25 =	spop (v2sf);
	(v2sf) =	vpush v4, $0x9  }
0x102: {  	s22 =	smin.f32 s22, s24;
	s29 =	spop (v2sf);
	(v2sf) =	vpush v3, $0x9  }
0x103: {  	s23 =	smax.f32 s23, s25;
	s30 =	spop (v2sf);
	(v2sf) =	vpush v4, $0xA  }
0x104: {  	s22 =	smin.f32 s22, s29;
	s31 =	spop (v2sf);
	(v2sf) =	vpush v3, $0xA  }
0x105: {  	s23 =	smax.f32 s23, s30;
	s26 =	spop (v2sf);
	(v2sf) =	vpush v4, $0xB  }
0x106: {  	s22 =	smin.f32 s22, s31;
	s28 =	spop (v2sf);
	(v2sf) =	vpush v3, $0xB  }
0x107: {  	s23 =	smax.f32 s23, s26;
	s29 =	spop (v2sf);
	(v2sf) =	vpush v4, $0xC  }
0x108: {  	s22 =	smin.f32 s22, s28;
	s30 =	spop (v2sf);
	(v2sf) =	vpush v3, $0xC  }
0x109: {  	s23 =	smax.f32 s23, s29;
	s31 =	spop (v2sf);
	(v2sf) =	vpush v4, $0xD  }
0x10a: {  	s22 =	smin.f32 s22, s30;
	s26 =	spop (v2sf);
	(v2sf) =	vpush v3, $0xD  }
0x10b: {  	s23 =	smax.f32 s23, s31;
	s28 =	spop (v2sf);
	(v2sf) =	vpush v4, $0xE  }
0x10c: {  	s22 =	smin.f32 s22, s26;
	s29 =	spop (v2sf);
	(v2sf) =	vpush v3, $0xE  }
0x10d: {  	s23 =	smax.f32 s23, s28;
	s30 =	spop (v2sf);
	(v2sf) =	vpush v4, $0xF  }
0x10e: {  	s22 =	smin.f32 s22, s29;
	s31 =	spop (v2sf);
	(v2sf) =	vpush v3, $0xF  }
0x10f: {  	s23 =	smax.f32 s23, s30;
	s26 =	spop (v2sf)  }
0x110: {  	s22 =	smin.f32 s22, s31;
	s28 =	spop (v2sf)  }
0x111: {  	s23 =	smax.f32 s23, s26;
	s29 =	spop (v2sf)  }
0x112: {  	s22 =	smin.f32 s22, s28;
	s30 =	spop (v2sf)  }
0x113: {  	s23 =	smax.f32 s23, s29;
	s31 =	spop (v2sf)  }
0x114: {  	s22 =	smin.f32 s22, s30;
	s26 =	spop (v2sf)  }
0x115: {  	s23 =	smax.f32 s23, s31;
	s28 =	spop (v2sf)  }
0x116: {  	s22 =	smin.f32 s22, s26;
	s29 =	spop (v2sf)  }
0x117: {  	s23 =	smax.f32 s23, s28;
	s30 =	spop (v2sf)  }
0x118: {  	s22 =	smin.f32 s22, s29;
	s31 =	spop (v2sf)  }
0x119: {  	s23 =	smax.f32 s23, s30;
	s26 =	spop (v2sf)  }
0x11a: {  	s22 =	smin.f32 s22, s31;
	s28 =	spop (v2sf)  }
0x11b: {  	s23 =	smax.f32 s23, s26;
	s29 =	spop (v2sf)  }
0x11c: {  	s22 =	smin.f32 s22, s28;
	s30 =	spop (v2sf)  }
0x11d: {  	s23 =	smax.f32 s23, s29;
	s31 =	spop (v2sf)  }
0x11e: {  	s22 =	smin.f32 s22, s30;
	s23 =	smax.f32 s23, s31  }
0x11f: {  	s23 =	ssub.f32 s23, s22;
	_ =	sdelay $0x1  }
0x120: {  	s23 =	sadd.f32 $9.999999930e-09, s23;
	_ =	sdelay $0x1  }
0x121: {  	v3 =	vmov s23  }
0x122: {  	(erf) = vrcp.f32 v3;
	_ =	sdelay $0x8  }
0x123: {  	v4 =	vpop (erf)  }
0x124: {  	[tilespmem:s21+$0x2000] =	vst v0;
	s21 =	simm.s32 $0x0;
	v3 =	vmov s22;
	s22 =	simm.s32 $0x0;
	v4 =	vmul.f32 $2.560000000e+02, v4  }
.LBB2_16:
0x125: {  	s23 =	sshll.u32 s22, $0xD  }
0x126: {  	s23 =	sadd.s32 s9, s23  }
0x127: {  	s23 =	sshrl.u32 s23, $0x3  }
0x128: {  	s23 =	sadd.s32 s4, s23  }
0x129: {  	[tilespmem:s21], [sflag:$0x1] =	stream.linear.gather [hbm4b:s23+s21], $0x2000, $0x38;
	[tilespmem:$0x4300] =	vst v63  }
0x12a: {  	_ =	swait.ge [sflag:s15], $0x2000  }
0x12b: {  	[sflag:s15] =	ssyncset.done $0x0  }
0x12c: {  	s24 =	simm.s32 $0x0;
	s23 =	simm.s32 $0x40;
	[sflag:s15] =	ssyncadd.s32 $0xFFFFE000  }
.LBB2_17:
0x12d: {  	p0 =	sne.s32 s23, $0x7FC0;
	v5 =	vld [tilespmem:s24+$0x0];
	_ =	sdelay $0x4  }
0x12e: {  	v5 =	vsub.f32 v5, v3;
	_ =	sdelay $0x1  }
0x12f: {  	v5 =	vmul.f32 v5, v4;
	_ =	sdelay $0x1  }
0x130: {  	v5 =	vtrunc.f32 v5  }
0x131: {  	v5 =	vcvt.f32.s32 v5;
	_ =	sdelay $0x1  }
0x132: {  	vm0 =	vgt.s32 v5, $0x0  }
0x133: {  	v5 =	vnsel vm0, $0x0, v5  }
0x134: {  	v5 =	vmin.u32 v5, $0xFF  }
0x135: {  	v5 =	vor.u32 v1, v5  }
.Ltmp7:
0x136: {  	(pc) =	sbr.rel @p0 .LBB2_17-.Ltmp7, $2  }
0x137: {  	_ =	sdelay $0x2  }
0x138: {  	s24 =	sshra.s32 s23, $0x2;
	s23 =	sadd.s32 $0x40, s23;
	[tilespmem:v5+s16+$0x0] =	vst.idx.add.f32.msk $0xffff, v2  }
0x139: {  	v5 =	vld [tilespmem:s24+$0x0];
	_ =	sdelay $0x4  }
0x13a: {  	v5 =	vsub.f32 v5, v3;
	_ =	sdelay $0x1  }
0x13b: {  	v5 =	vmul.f32 v5, v4;
	_ =	sdelay $0x1  }
0x13c: {  	v5 =	vtrunc.f32 v5  }
0x13d: {  	v5 =	vcvt.f32.s32 v5;
	_ =	sdelay $0x1  }
0x13e: {  	vm0 =	vgt.s32 v5, $0x0  }
0x13f: {  	v5 =	vnsel vm0, $0x0, v5  }
0x140: {  	s22 =	sadd.s32 $0x1, s22;
	v5 =	vmin.u32 v5, $0xFF  }
0x141: {  	p0 =	sne.s32 s22, $0x36;
	v5 =	vor.u32 v1, v5  }
.Ltmp8:
0x142: {  	_ = 	snop;
	(pc) =	sbr.rel @p0 .LBB2_16-.Ltmp8, $2  }
0x143: {  	_ =	sdelay $0x2  }
0x144: {  	[tilespmem:v5+s16+$0x0] =	vst.idx.add.f32.msk $0xffff, v2  }
0x145: {  	s21 =	simm.s32 $0x0  }
0x146: {  	s21 =	sand.u32 $0xF0, s21  }
0x147: {  	v3 =	vld [tilespmem:s21+$0x2000];
	_ =	sdelay $0x1  }
0x148: {  	v4 =	vld [tilespmem:s21+$0x2100];
	_ =	sdelay $0x1  }
0x149: {  	v5 =	vld [tilespmem:s21+$0x2200]  }
0x14a: {  	v3 =	vadd.f32 $0.0e+00, v3  }
0x14b: {  	v6 =	vld [tilespmem:s21+$0x2300]  }
0x14c: {  	v3 =	vadd.f32 v4, v3  }
0x14d: {  	v52 =	vld [tilespmem:s21+$0x2400]  }
0x14e: {  	v3 =	vadd.f32 v5, v3  }
0x14f: {  	v53 =	vld [tilespmem:s21+$0x2500]  }
0x150: {  	v3 =	vadd.f32 v6, v3  }
0x151: {  	v54 =	vld [tilespmem:s21+$0x2600]  }
0x152: {  	v3 =	vadd.f32 v52, v3  }
0x153: {  	v55 =	vld [tilespmem:s21+$0x2700]  }
0x154: {  	v3 =	vadd.f32 v53, v3  }
0x155: {  	v56 =	vld [tilespmem:s21+$0x2800]  }
0x156: {  	v3 =	vadd.f32 v54, v3  }
0x157: {  	v57 =	vld [tilespmem:s21+$0x2900]  }
0x158: {  	v3 =	vadd.f32 v55, v3  }
0x159: {  	v58 =	vld [tilespmem:s21+$0x2A00]  }
0x15a: {  	v3 =	vadd.f32 v56, v3  }
0x15b: {  	v59 =	vld [tilespmem:s21+$0x2B00]  }
0x15c: {  	v3 =	vadd.f32 v57, v3  }
0x15d: {  	v60 =	vld [tilespmem:s21+$0x2C00]  }
0x15e: {  	v3 =	vadd.f32 v58, v3  }
0x15f: {  	v61 =	vld [tilespmem:s21+$0x2D00]  }
0x160: {  	v3 =	vadd.f32 v59, v3  }
0x161: {  	v62 =	vld [tilespmem:s21+$0x2E00]  }
0x162: {  	v3 =	vadd.f32 v60, v3  }
0x163: {  	v63 =	vld [tilespmem:s21+$0x2F00]  }
0x164: {  	v3 =	vadd.f32 v61, v3;
	_ =	sdelay $0x1  }
0x165: {  	v3 =	vadd.f32 v62, v3;
	_ =	sdelay $0x1  }
0x166: {  	v3 =	vadd.f32 v63, v3  }
0x167: {  	s22 =	simm.s32 $0x10;
	s21 =	simm.s32 $0x4200  }
0x168: {  	s23 =	simm.s32 $0x20;
	s22 =	sand.u32 $0xF0, s22;
	[tilespmem:s21+$0x0] =	vst v3  }
.LBB2_20:
0x169: {  	p0 =	sne.s32 s23, $0xF0;
	v3 =	vld [tilespmem:s22+$0x2000];
	_ =	sdelay $0x1  }
0x16a: {  	v4 =	vld [tilespmem:s22+$0x2100];
	_ =	sdelay $0x1  }
0x16b: {  	v5 =	vld [tilespmem:s22+$0x2200]  }
0x16c: {  	v3 =	vadd.f32 $0.0e+00, v3  }
0x16d: {  	v6 =	vld [tilespmem:s22+$0x2300]  }
0x16e: {  	v3 =	vadd.f32 v4, v3  }
0x16f: {  	v4 =	vld [tilespmem:s22+$0x2400]  }
0x170: {  	v3 =	vadd.f32 v5, v3  }
0x171: {  	v5 =	vld [tilespmem:s22+$0x2500]  }
0x172: {  	v3 =	vadd.f32 v6, v3  }
0x173: {  	v6 =	vld [tilespmem:s22+$0x2600]  }
0x174: {  	v3 =	vadd.f32 v4, v3  }
0x175: {  	v4 =	vld [tilespmem:s22+$0x2700]  }
0x176: {  	v3 =	vadd.f32 v5, v3  }
0x177: {  	v5 =	vld [tilespmem:s22+$0x2800]  }
0x178: {  	v3 =	vadd.f32 v6, v3  }
0x179: {  	v6 =	vld [tilespmem:s22+$0x2900]  }
0x17a: {  	v3 =	vadd.f32 v4, v3  }
0x17b: {  	v4 =	vld [tilespmem:s22+$0x2A00]  }
0x17c: {  	v3 =	vadd.f32 v5, v3  }
0x17d: {  	v5 =	vld [tilespmem:s22+$0x2B00]  }
0x17e: {  	v3 =	vadd.f32 v6, v3  }
0x17f: {  	v6 =	vld [tilespmem:s22+$0x2C00]  }
0x180: {  	v3 =	vadd.f32 v4, v3  }
0x181: {  	v4 =	vld [tilespmem:s22+$0x2D00]  }
0x182: {  	v3 =	vadd.f32 v5, v3  }
0x183: {  	v5 =	vld [tilespmem:s22+$0x2E00]  }
0x184: {  	v3 =	vadd.f32 v6, v3  }
0x185: {  	v6 =	vld [tilespmem:s22+$0x2F00]  }
0x186: {  	v3 =	vadd.f32 v4, v3;
	_ =	sdelay $0x1  }
.Ltmp9:
0x187: {  	v3 =	vadd.f32 v5, v3;
	(pc) =	sbr.rel @p0 .LBB2_20-.Ltmp9, $4  }
0x188: {  	_ = 	snop  }
0x189: {  	v3 =	vadd.f32 v6, v3  }
0x18a: {  	s21 =	sadd.s32 $0x10, s21  }
0x18b: {  	s22 =	sand.u32 $0xF0, s23;
	s23 =	sadd.s32 $0x10, s23;
	[tilespmem:s21+$0x0] =	vst v3  }
0x18c: {  	v3 =	vld [tilespmem:s22+$0x2000];
	_ =	sdelay $0x1  }
0x18d: {  	v4 =	vld [tilespmem:s22+$0x2100];
	_ =	sdelay $0x1  }
0x18e: {  	v5 =	vld [tilespmem:s22+$0x2200]  }
0x18f: {  	v3 =	vadd.f32 $0.0e+00, v3  }
0x190: {  	v6 =	vld [tilespmem:s22+$0x2300]  }
0x191: {  	v3 =	vadd.f32 v4, v3  }
0x192: {  	v4 =	vld [tilespmem:s22+$0x2400]  }
0x193: {  	v3 =	vadd.f32 v5, v3  }
0x194: {  	v5 =	vld [tilespmem:s22+$0x2500]  }
0x195: {  	v3 =	vadd.f32 v6, v3  }
0x196: {  	v6 =	vld [tilespmem:s22+$0x2600]  }
0x197: {  	v3 =	vadd.f32 v4, v3  }
0x198: {  	v4 =	vld [tilespmem:s22+$0x2700]  }
0x199: {  	v3 =	vadd.f32 v5, v3  }
0x19a: {  	v5 =	vld [tilespmem:s22+$0x2800]  }
0x19b: {  	v3 =	vadd.f32 v6, v3  }
0x19c: {  	v6 =	vld [tilespmem:s22+$0x2900]  }
0x19d: {  	v3 =	vadd.f32 v4, v3  }
0x19e: {  	v4 =	vld [tilespmem:s22+$0x2A00]  }
0x19f: {  	v3 =	vadd.f32 v5, v3  }
0x1a0: {  	v5 =	vld [tilespmem:s22+$0x2B00]  }
0x1a1: {  	v3 =	vadd.f32 v6, v3  }
0x1a2: {  	v6 =	vld [tilespmem:s22+$0x2C00]  }
0x1a3: {  	v3 =	vadd.f32 v4, v3  }
0x1a4: {  	v4 =	vld [tilespmem:s22+$0x2D00]  }
0x1a5: {  	v3 =	vadd.f32 v5, v3  }
0x1a6: {  	v5 =	vld [tilespmem:s22+$0x2E00]  }
0x1a7: {  	v3 =	vadd.f32 v6, v3  }
0x1a8: {  	v6 =	vld [tilespmem:s22+$0x2F00]  }
0x1a9: {  	v3 =	vadd.f32 v4, v3;
	_ =	sdelay $0x1  }
0x1aa: {  	v3 =	vadd.f32 v5, v3;
	_ =	sdelay $0x1  }
0x1ab: {  	v3 =	vadd.f32 v6, v3  }
0x1ac: {  	s21 =	sadd.s32 $0x10, s21  }
0x1ad: {  	[tilespmem:s21+$0x0] =	vst v3  }
0x1ae: {  	[hbm4b:s10+s17] =	stream.strided.scatter [tilespmem:s19], [sflag:$0x1], $0x100, s18, s17, $0x38;
	[tilespmem:$0x4300] =	vst v63  }
0x1af: {  	_ =	swait.ge [sflag:s15], $0x100  }
0x1b0: {  	[sflag:s15] =	ssyncset.done $0x0  }
0x1b1: {  	s30 =	simm.s32 $0x0;
	s31 =	simm.s32 $0x3C10;
	[sflag:s15] =	ssyncadd.s32 $0xFFFFFF00  }
0x1b2: {  	s23 =	sand.u32 $0x7F0, s30;
	v3 =	vld [tilespmem:s31+$0x0]  }
0x1b3: {  	v6 =	vld [tilespmem:s23+$0x3C00];
	_ =	sdelay $0x3  }
0x1b4: {  	s22 =	simm.s32 $0x3C40;
	v4 =	vimm.f32 $+Inf;
	v5 =	vimm.f32 $-Inf;
	s21 =	simm.s32 $0x30  }
.LBB2_22:
0x1b5: {  	s23 =	sand.u32 $0x7F0, s21;
	p0 =	sne.s32 s21, $0x5D0;
	s21 =	sadd.s32 $0x30, s21;
	v4 =	vmin.f32 v4, v6;
	v5 =	vmax.f32 v5, v3;
	v3 =	vld [tilespmem:s22+$0x0]  }
.Ltmp10:
0x1b6: {  	v6 =	vld [tilespmem:s23+$0x3C00];
	(pc) =	sbr.rel @p0 .LBB2_22-.Ltmp10, $2  }
0x1b7: {  	_ =	sdelay $0x2  }
0x1b8: {  	s22 =	sadd.s32 $0x30, s22  }
0x1b9: {  	v4 =	vmin.f32 v4, v6;
	v3 =	vmax.f32 v5, v3;
	s22 =	simm.s32 $0x40;
	s21 =	simm.s32 $0x0  }
.LBB2_24:
0x1ba: {  	p0 =	sne.s32 s22, $0x3FC0;
	[tilespmem:s21+$0x2000] =	vst v0;
	s21 =	smov.u32 s22;
	s22 =	sadd.s32 $0x40, s22  }
.Ltmp11:
0x1bb: {  	(pc) =	sbr.rel @p0 .LBB2_24-.Ltmp11, $2  }
0x1bc: {  	_ =	sdelay $0x2  }
0x1bd: {  	s21 =	sshra.s32 s21, $0x2  }
0x1be: {  	(v2sf) =	vpush v4, $0x0  }
0x1bf: {  	(v2sf) =	vpush v3, $0x0  }
0x1c0: {  	(v2sf) =	vpush v4, $0x1  }
0x1c1: {  	(v2sf) =	vpush v3, $0x1  }
0x1c2: {  	(v2sf) =	vpush v4, $0x2  }
0x1c3: {  	(v2sf) =	vpush v3, $0x2  }
0x1c4: {  	(v2sf) =	vpush v4, $0x3  }
0x1c5: {  	(v2sf) =	vpush v3, $0x3  }
0x1c6: {  	(v2sf) =	vpush v4, $0x4  }
0x1c7: {  	(v2sf) =	vpush v3, $0x4  }
0x1c8: {  	(v2sf) =	vpush v4, $0x5  }
0x1c9: {  	(v2sf) =	vpush v3, $0x5  }
0x1ca: {  	(v2sf) =	vpush v4, $0x6  }
0x1cb: {  	(v2sf) =	vpush v3, $0x6  }
0x1cc: {  	(v2sf) =	vpush v4, $0x7  }
0x1cd: {  	s22 =	spop (v2sf);
	(v2sf) =	vpush v3, $0x7  }
0x1ce: {  	s23 =	spop (v2sf);
	(v2sf) =	vpush v4, $0x8  }
0x1cf: {  	s24 =	spop (v2sf);
	(v2sf) =	vpush v3, $0x8  }
0x1d0: {  	s25 =	spop (v2sf);
	(v2sf) =	vpush v4, $0x9  }
0x1d1: {  	s22 =	smin.f32 s22, s24;
	s29 =	spop (v2sf);
	(v2sf) =	vpush v3, $0x9  }
0x1d2: {  	s23 =	smax.f32 s23, s25;
	s30 =	spop (v2sf);
	(v2sf) =	vpush v4, $0xA  }
0x1d3: {  	s22 =	smin.f32 s22, s29;
	s31 =	spop (v2sf);
	(v2sf) =	vpush v3, $0xA  }
0x1d4: {  	s23 =	smax.f32 s23, s30;
	s26 =	spop (v2sf);
	(v2sf) =	vpush v4, $0xB  }
0x1d5: {  	s22 =	smin.f32 s22, s31;
	s28 =	spop (v2sf);
	(v2sf) =	vpush v3, $0xB  }
0x1d6: {  	s23 =	smax.f32 s23, s26;
	s29 =	spop (v2sf);
	(v2sf) =	vpush v4, $0xC  }
0x1d7: {  	s22 =	smin.f32 s22, s28;
	s30 =	spop (v2sf);
	(v2sf) =	vpush v3, $0xC  }
0x1d8: {  	s23 =	smax.f32 s23, s29;
	s31 =	spop (v2sf);
	(v2sf) =	vpush v4, $0xD  }
0x1d9: {  	s22 =	smin.f32 s22, s30;
	s26 =	spop (v2sf);
	(v2sf) =	vpush v3, $0xD  }
0x1da: {  	s23 =	smax.f32 s23, s31;
	s28 =	spop (v2sf);
	(v2sf) =	vpush v4, $0xE  }
0x1db: {  	s22 =	smin.f32 s22, s26;
	s29 =	spop (v2sf);
	(v2sf) =	vpush v3, $0xE  }
0x1dc: {  	s23 =	smax.f32 s23, s28;
	s30 =	spop (v2sf);
	(v2sf) =	vpush v4, $0xF  }
0x1dd: {  	s22 =	smin.f32 s22, s29;
	s31 =	spop (v2sf);
	(v2sf) =	vpush v3, $0xF  }
0x1de: {  	s23 =	smax.f32 s23, s30;
	s26 =	spop (v2sf)  }
0x1df: {  	s22 =	smin.f32 s22, s31;
	s28 =	spop (v2sf)  }
0x1e0: {  	s23 =	smax.f32 s23, s26;
	s29 =	spop (v2sf)  }
0x1e1: {  	s22 =	smin.f32 s22, s28;
	s30 =	spop (v2sf)  }
0x1e2: {  	s23 =	smax.f32 s23, s29;
	s31 =	spop (v2sf)  }
0x1e3: {  	s22 =	smin.f32 s22, s30;
	s26 =	spop (v2sf)  }
0x1e4: {  	s23 =	smax.f32 s23, s31;
	s28 =	spop (v2sf)  }
0x1e5: {  	s22 =	smin.f32 s22, s26;
	s29 =	spop (v2sf)  }
0x1e6: {  	s23 =	smax.f32 s23, s28;
	s30 =	spop (v2sf)  }
0x1e7: {  	s22 =	smin.f32 s22, s29;
	s31 =	spop (v2sf)  }
0x1e8: {  	s23 =	smax.f32 s23, s30;
	s26 =	spop (v2sf)  }
0x1e9: {  	s22 =	smin.f32 s22, s31;
	s28 =	spop (v2sf)  }
0x1ea: {  	s23 =	smax.f32 s23, s26;
	s29 =	spop (v2sf)  }
0x1eb: {  	s22 =	smin.f32 s22, s28;
	s30 =	spop (v2sf)  }
0x1ec: {  	s23 =	smax.f32 s23, s29;
	s31 =	spop (v2sf)  }
0x1ed: {  	s22 =	smin.f32 s22, s30;
	s23 =	smax.f32 s23, s31  }
0x1ee: {  	s23 =	ssub.f32 s23, s22;
	_ =	sdelay $0x1  }
0x1ef: {  	s23 =	sadd.f32 $9.999999930e-09, s23;
	_ =	sdelay $0x1  }
0x1f0: {  	v3 =	vmov s23  }
0x1f1: {  	(erf) = vrcp.f32 v3;
	_ =	sdelay $0x8  }
0x1f2: {  	v4 =	vpop (erf)  }
0x1f3: {  	[tilespmem:s21+$0x2000] =	vst v0;
	s21 =	simm.s32 $0x0;
	v3 =	vmov s22;
	s22 =	simm.s32 $0x0;
	v4 =	vmul.f32 $2.560000000e+02, v4  }
.LBB2_26:
0x1f4: {  	s23 =	sshll.u32 s22, $0xD  }
0x1f5: {  	s23 =	sadd.s32 s11, s23  }
0x1f6: {  	s23 =	sshrl.u32 s23, $0x3  }
0x1f7: {  	s23 =	sadd.s32 s5, s23  }
0x1f8: {  	[tilespmem:s21], [sflag:$0x1] =	stream.linear.gather [hbm4b:s23+s21], $0x2000, $0x38;
	[tilespmem:$0x4300] =	vst v63  }
0x1f9: {  	_ =	swait.ge [sflag:s15], $0x2000  }
0x1fa: {  	[sflag:s15] =	ssyncset.done $0x0  }
0x1fb: {  	s24 =	simm.s32 $0x0;
	s23 =	simm.s32 $0x40;
	[sflag:s15] =	ssyncadd.s32 $0xFFFFE000  }
.LBB2_27:
0x1fc: {  	p0 =	sne.s32 s23, $0x7FC0;
	v5 =	vld [tilespmem:s24+$0x0];
	_ =	sdelay $0x4  }
0x1fd: {  	v5 =	vsub.f32 v5, v3;
	_ =	sdelay $0x1  }
0x1fe: {  	v5 =	vmul.f32 v5, v4;
	_ =	sdelay $0x1  }
0x1ff: {  	v5 =	vtrunc.f32 v5  }
0x200: {  	v5 =	vcvt.f32.s32 v5;
	_ =	sdelay $0x1  }
0x201: {  	vm0 =	vgt.s32 v5, $0x0  }
0x202: {  	v5 =	vnsel vm0, $0x0, v5  }
0x203: {  	v5 =	vmin.u32 v5, $0xFF  }
0x204: {  	v5 =	vor.u32 v1, v5  }
.Ltmp12:
0x205: {  	(pc) =	sbr.rel @p0 .LBB2_27-.Ltmp12, $2  }
0x206: {  	_ =	sdelay $0x2  }
0x207: {  	s24 =	sshra.s32 s23, $0x2;
	s23 =	sadd.s32 $0x40, s23;
	[tilespmem:v5+s16+$0x0] =	vst.idx.add.f32.msk $0xffff, v2  }
0x208: {  	v5 =	vld [tilespmem:s24+$0x0];
	_ =	sdelay $0x4  }
0x209: {  	v5 =	vsub.f32 v5, v3;
	_ =	sdelay $0x1  }
0x20a: {  	v5 =	vmul.f32 v5, v4;
	_ =	sdelay $0x1  }
0x20b: {  	v5 =	vtrunc.f32 v5  }
0x20c: {  	v5 =	vcvt.f32.s32 v5;
	_ =	sdelay $0x1  }
0x20d: {  	vm0 =	vgt.s32 v5, $0x0  }
0x20e: {  	v5 =	vnsel vm0, $0x0, v5  }
0x20f: {  	s22 =	sadd.s32 $0x1, s22;
	v5 =	vmin.u32 v5, $0xFF  }
0x210: {  	p0 =	sne.s32 s22, $0x6C;
	v5 =	vor.u32 v1, v5  }
.Ltmp13:
0x211: {  	_ = 	snop;
	(pc) =	sbr.rel @p0 .LBB2_26-.Ltmp13, $2  }
0x212: {  	_ =	sdelay $0x2  }
0x213: {  	[tilespmem:v5+s16+$0x0] =	vst.idx.add.f32.msk $0xffff, v2  }
0x214: {  	s21 =	simm.s32 $0x0  }
0x215: {  	s21 =	sand.u32 $0xF0, s21  }
0x216: {  	v3 =	vld [tilespmem:s21+$0x2000];
	_ =	sdelay $0x1  }
0x217: {  	v4 =	vld [tilespmem:s21+$0x2100];
	_ =	sdelay $0x1  }
0x218: {  	v5 =	vld [tilespmem:s21+$0x2200]  }
0x219: {  	v3 =	vadd.f32 $0.0e+00, v3  }
0x21a: {  	v6 =	vld [tilespmem:s21+$0x2300]  }
0x21b: {  	v3 =	vadd.f32 v4, v3  }
0x21c: {  	v52 =	vld [tilespmem:s21+$0x2400]  }
0x21d: {  	v3 =	vadd.f32 v5, v3  }
0x21e: {  	v53 =	vld [tilespmem:s21+$0x2500]  }
0x21f: {  	v3 =	vadd.f32 v6, v3  }
0x220: {  	v54 =	vld [tilespmem:s21+$0x2600]  }
0x221: {  	v3 =	vadd.f32 v52, v3  }
0x222: {  	v55 =	vld [tilespmem:s21+$0x2700]  }
0x223: {  	v3 =	vadd.f32 v53, v3  }
0x224: {  	v56 =	vld [tilespmem:s21+$0x2800]  }
0x225: {  	v3 =	vadd.f32 v54, v3  }
0x226: {  	v57 =	vld [tilespmem:s21+$0x2900]  }
0x227: {  	v3 =	vadd.f32 v55, v3  }
0x228: {  	v58 =	vld [tilespmem:s21+$0x2A00]  }
0x229: {  	v3 =	vadd.f32 v56, v3  }
0x22a: {  	v59 =	vld [tilespmem:s21+$0x2B00]  }
0x22b: {  	v3 =	vadd.f32 v57, v3  }
0x22c: {  	v60 =	vld [tilespmem:s21+$0x2C00]  }
0x22d: {  	v3 =	vadd.f32 v58, v3  }
0x22e: {  	v61 =	vld [tilespmem:s21+$0x2D00]  }
0x22f: {  	v3 =	vadd.f32 v59, v3  }
0x230: {  	v62 =	vld [tilespmem:s21+$0x2E00]  }
0x231: {  	v3 =	vadd.f32 v60, v3  }
0x232: {  	v63 =	vld [tilespmem:s21+$0x2F00]  }
0x233: {  	v3 =	vadd.f32 v61, v3;
	_ =	sdelay $0x1  }
0x234: {  	v3 =	vadd.f32 v62, v3;
	_ =	sdelay $0x1  }
0x235: {  	v3 =	vadd.f32 v63, v3  }
0x236: {  	s22 =	simm.s32 $0x10;
	s21 =	simm.s32 $0x4200  }
0x237: {  	s23 =	simm.s32 $0x20;
	s22 =	sand.u32 $0xF0, s22;
	[tilespmem:s21+$0x0] =	vst v3  }
.LBB2_30:
0x238: {  	p0 =	sne.s32 s23, $0xF0;
	v3 =	vld [tilespmem:s22+$0x2000];
	_ =	sdelay $0x1  }
0x239: {  	v4 =	vld [tilespmem:s22+$0x2100];
	_ =	sdelay $0x1  }
0x23a: {  	v5 =	vld [tilespmem:s22+$0x2200]  }
0x23b: {  	v3 =	vadd.f32 $0.0e+00, v3  }
0x23c: {  	v6 =	vld [tilespmem:s22+$0x2300]  }
0x23d: {  	v3 =	vadd.f32 v4, v3  }
0x23e: {  	v4 =	vld [tilespmem:s22+$0x2400]  }
0x23f: {  	v3 =	vadd.f32 v5, v3  }
0x240: {  	v5 =	vld [tilespmem:s22+$0x2500]  }
0x241: {  	v3 =	vadd.f32 v6, v3  }
0x242: {  	v6 =	vld [tilespmem:s22+$0x2600]  }
0x243: {  	v3 =	vadd.f32 v4, v3  }
0x244: {  	v4 =	vld [tilespmem:s22+$0x2700]  }
0x245: {  	v3 =	vadd.f32 v5, v3  }
0x246: {  	v5 =	vld [tilespmem:s22+$0x2800]  }
0x247: {  	v3 =	vadd.f32 v6, v3  }
0x248: {  	v6 =	vld [tilespmem:s22+$0x2900]  }
0x249: {  	v3 =	vadd.f32 v4, v3  }
0x24a: {  	v4 =	vld [tilespmem:s22+$0x2A00]  }
0x24b: {  	v3 =	vadd.f32 v5, v3  }
0x24c: {  	v5 =	vld [tilespmem:s22+$0x2B00]  }
0x24d: {  	v3 =	vadd.f32 v6, v3  }
0x24e: {  	v6 =	vld [tilespmem:s22+$0x2C00]  }
0x24f: {  	v3 =	vadd.f32 v4, v3  }
0x250: {  	v4 =	vld [tilespmem:s22+$0x2D00]  }
0x251: {  	v3 =	vadd.f32 v5, v3  }
0x252: {  	v5 =	vld [tilespmem:s22+$0x2E00]  }
0x253: {  	v3 =	vadd.f32 v6, v3  }
0x254: {  	v6 =	vld [tilespmem:s22+$0x2F00]  }
0x255: {  	v3 =	vadd.f32 v4, v3;
	_ =	sdelay $0x1  }
.Ltmp14:
0x256: {  	v3 =	vadd.f32 v5, v3;
	(pc) =	sbr.rel @p0 .LBB2_30-.Ltmp14, $4  }
0x257: {  	_ = 	snop  }
0x258: {  	v3 =	vadd.f32 v6, v3  }
0x259: {  	s21 =	sadd.s32 $0x10, s21  }
0x25a: {  	s22 =	sand.u32 $0xF0, s23;
	s23 =	sadd.s32 $0x10, s23;
	[tilespmem:s21+$0x0] =	vst v3  }
0x25b: {  	v3 =	vld [tilespmem:s22+$0x2000];
	_ =	sdelay $0x1  }
0x25c: {  	v4 =	vld [tilespmem:s22+$0x2100];
	_ =	sdelay $0x1  }
0x25d: {  	v5 =	vld [tilespmem:s22+$0x2200]  }
0x25e: {  	v3 =	vadd.f32 $0.0e+00, v3  }
0x25f: {  	v6 =	vld [tilespmem:s22+$0x2300]  }
0x260: {  	v3 =	vadd.f32 v4, v3  }
0x261: {  	v52 =	vld [tilespmem:s22+$0x2400]  }
0x262: {  	v3 =	vadd.f32 v5, v3  }
0x263: {  	v53 =	vld [tilespmem:s22+$0x2500]  }
0x264: {  	v3 =	vadd.f32 v6, v3  }
0x265: {  	v54 =	vld [tilespmem:s22+$0x2600]  }
0x266: {  	v3 =	vadd.f32 v52, v3  }
0x267: {  	v55 =	vld [tilespmem:s22+$0x2700]  }
0x268: {  	v3 =	vadd.f32 v53, v3  }
0x269: {  	v56 =	vld [tilespmem:s22+$0x2800]  }
0x26a: {  	v3 =	vadd.f32 v54, v3  }
0x26b: {  	v57 =	vld [tilespmem:s22+$0x2900]  }
0x26c: {  	v3 =	vadd.f32 v55, v3  }
0x26d: {  	v58 =	vld [tilespmem:s22+$0x2A00]  }
0x26e: {  	v3 =	vadd.f32 v56, v3  }
0x26f: {  	v59 =	vld [tilespmem:s22+$0x2B00]  }
0x270: {  	v3 =	vadd.f32 v57, v3  }
0x271: {  	v60 =	vld [tilespmem:s22+$0x2C00]  }
0x272: {  	v3 =	vadd.f32 v58, v3  }
0x273: {  	v61 =	vld [tilespmem:s22+$0x2D00]  }
0x274: {  	v3 =	vadd.f32 v59, v3  }
0x275: {  	v62 =	vld [tilespmem:s22+$0x2E00]  }
0x276: {  	v3 =	vadd.f32 v60, v3  }
0x277: {  	v63 =	vld [tilespmem:s22+$0x2F00]  }
0x278: {  	v3 =	vadd.f32 v61, v3;
	_ =	sdelay $0x1  }
0x279: {  	v3 =	vadd.f32 v62, v3;
	_ =	sdelay $0x1  }
0x27a: {  	s20 =	sadd.s32 $0x1, s20;
	v3 =	vadd.f32 v63, v3  }
0x27b: {  	s21 =	sadd.s32 $0x10, s21;
	p0 =	sne.s32 s20, s13  }
.Ltmp15:
0x27c: {  	[tilespmem:s21+$0x0] =	vst v3;
	(pc) =	sbr.rel @p0 .LBB2_1-.Ltmp15, $4  }
0x27d: {  	[hbm4b:s12+s17] =	stream.strided.scatter [tilespmem:s19], [sflag:$0x1], $0x100, s18, s17, $0x38;
	[tilespmem:$0x4300] =	vst v63  }
0x27e: {  	_ =	swait.ge [sflag:s15], $0x100  }
0x27f: {  	[sflag:s15] =	ssyncset.done $0x0  }
0x280: {  	[sflag:s15] =	ssyncadd.s32 $0xFFFFFF00  }
0x281: {  	_ =	sfence.sel $0x180000  }
0x282: {  	[bflag:$0x0] =	sbarrier.arrive $0xFFFF  }
0x283: {  	p0 =	sne.s32 s1, $0x0;
	_ =	strace $0x9000004A  }
0x284: {  	s0 =	sadd.s32 @!p0 $0x100000, s0;
	[bflag:$0x2] =	sbarrier.arrive $0xFFFF  }
0x285: {  	[sflag:s0] =	ssyncadd.tile.s32 @!p0 $0x1;
	_ =	shalt  }
.Lfunc_end2:
_tile_overlayer_lowered:
.L_overlay_start_2:
0x286: {  	(tag) =	ssettag $0x2  }
0x287: {  	s0 =	rddreg [dreg:$0x0];
	s2 =	stileid.u32  }
0x288: {  	s1 =	rddreg [dreg:$0x1];
	p0 =	sne.s32 s2, $0x0  }
0x289: {  	s3 =	rddreg [dreg:$0x2];
	[bflag:$0x3] =	sbarrier.arrive $0xFFFF;
	s2 =	simm.s32 @!p0 $0x1C01  }
0x28a: {  	[timem:s3], [sflag:s2] =	dma.local @!p0 [hbm:s0], s1  }
0x28b: {  	s0 =	simm.s32 @!p0 $0x1  }
0x28c: {  	_ =	swait.ge @!p0 [sflag:s0], s1  }
0x28d: {  	s1 =	ssub.s32 @!p0 $0x0, s1;
	[sflag:s0] =	ssyncset.done @!p0 $0x0  }
0x28e: {  	[sflag:s0] =	ssyncadd.s32 @!p0 s1  }
0x28f: {  	[bflag:$0x3] =	sbarrier.arrive $0xFFFF  }
0x290: {  	_ =	shalt  }

</sc_bundles>
